<compile_context>
chip_gen: v7x
topology: tpu7x:2x2x1
jax: 0.10.2.dev20260603
libtpu: 0.0.44.dev20260713+nightly
codegen_flags: <defaults>
</compile_context>

<pallas_src>
import functools

import jax
import jax.numpy as jnp
from jax import lax
from jax.experimental import pallas as pl
from jax.experimental.pallas import tpu as pltpu
from jax.experimental.pallas import tpu_sc as plsc

_B = 16384
_D = 128
_NC, _NS = 2, 16
_NW = _NC * _NS
_CHUNK = 128
_CPW = _B // _NW
_NCH = _CPW // _CHUNK


@functools.cache
def _make_sc_gather():
    mesh = plsc.VectorSubcoreMesh(core_axis_name="c", subcore_axis_name="s",
                                  num_cores=_NC, num_subcores=_NS)

    @functools.partial(
        pl.kernel,
        out_type=(
            jax.ShapeDtypeStruct((_B, _D), jnp.float32),
            jax.ShapeDtypeStruct((_B, _D), jnp.float32),
        ),
        mesh=mesh,
        scratch_types=[
            pltpu.VMEM((_NCH, _CHUNK), jnp.int32),
            pltpu.VMEM((_NCH, _CHUNK), jnp.int32),
            pltpu.VMEM((2, _CHUNK, _D), jnp.float32),
            pltpu.VMEM((2, _CHUNK, _D), jnp.float32),
            pltpu.SemaphoreType.DMA,
            pltpu.SemaphoreType.DMA,
            pltpu.SemaphoreType.DMA,
            pltpu.SemaphoreType.DMA,
        ],
    )
    def _sc_gather(uidx_hbm, ridx_hbm, utab_hbm, rtab_hbm, uout_hbm,
                   rout_hbm, uidx_v, ridx_v, urows_v, rrows_v,
                   ugsem, rgsem, uwsem, rwsem):
        wid = lax.axis_index("s") * _NC + lax.axis_index("c")
        base = wid * _CPW
        pltpu.sync_copy(uidx_hbm.at[wid], uidx_v)
        pltpu.sync_copy(ridx_hbm.at[wid], ridx_v)
        ug = [None] * _NCH
        rg = [None] * _NCH
        uw = [None] * _NCH
        rw = [None] * _NCH
        for j in range(2):
            ug[j] = pltpu.async_copy(utab_hbm.at[uidx_v.at[j]],
                                     urows_v.at[j % 2], ugsem)
            rg[j] = pltpu.async_copy(rtab_hbm.at[ridx_v.at[j]],
                                     rrows_v.at[j % 2], rgsem)
        for j in range(_NCH):
            row = pl.ds(base + j * _CHUNK, _CHUNK)
            ug[j].wait()
            uw[j] = pltpu.async_copy(urows_v.at[j % 2], uout_hbm.at[row],
                                     uwsem)
            rg[j].wait()
            rw[j] = pltpu.async_copy(rrows_v.at[j % 2], rout_hbm.at[row],
                                     rwsem)
            if j + 2 < _NCH:
                uw[j].wait()
                ug[j + 2] = pltpu.async_copy(utab_hbm.at[uidx_v.at[j + 2]],
                                             urows_v.at[j % 2], ugsem)
                rw[j].wait()
                rg[j + 2] = pltpu.async_copy(rtab_hbm.at[ridx_v.at[j + 2]],
                                             rrows_v.at[j % 2], rgsem)
        uw[_NCH - 2].wait()
        rw[_NCH - 2].wait()
        uw[_NCH - 1].wait()
        rw[_NCH - 1].wait()

    return _sc_gather


_BB = 4096


def _mlp_body(r_ref, u_ref, w1_ref, b1_ref, w2_ref, b2_ref, w3t_ref, b3_ref,
              o_ref):
    w1 = w1_ref[...]
    h = jnp.dot(r_ref[...], w1[:_D], preferred_element_type=jnp.float32)
    h = h + jnp.dot(u_ref[...], w1[_D:], preferred_element_type=jnp.float32)
    h = jnp.maximum(h + b1_ref[...], 0.0)
    h = jnp.dot(h, w2_ref[...], preferred_element_type=jnp.float32)
    h = jnp.maximum(h + b2_ref[...], 0.0)
    o = jnp.dot(w3t_ref[...], h.T, preferred_element_type=jnp.float32)
    o_ref[...] = (o + b3_ref[...])[None]


def _mlp(r_emb, u_emb, W1, b1, W2, b2, W3t, b3):
    return pl.pallas_call(
        _mlp_body,
        grid=(_B // _BB,),
        in_specs=[
            pl.BlockSpec((_BB, _D), lambda i: (i, 0)),
            pl.BlockSpec((_BB, _D), lambda i: (i, 0)),
            pl.BlockSpec((2 * _D, 100), lambda i: (0, 0)),
            pl.BlockSpec((1, 100), lambda i: (0, 0)),
            pl.BlockSpec((100, 50), lambda i: (0, 0)),
            pl.BlockSpec((1, 50), lambda i: (0, 0)),
            pl.BlockSpec((1, 50), lambda i: (0, 0)),
            pl.BlockSpec((1, 1), lambda i: (0, 0)),
        ],
        out_specs=pl.BlockSpec((1, 1, _BB), lambda i: (i, 0, 0)),
        out_shape=jax.ShapeDtypeStruct((_B // _BB, 1, _BB), jnp.float32),
    )(r_emb, u_emb, W1, b1, W2, b2, W3t, b3)


def kernel(user, recipe, user_table, recipe_table, W1, b1, W2, b2, W3, b3):
    uidx = user.astype(jnp.int32).reshape(_NW, _NCH, _CHUNK)
    ridx = recipe.astype(jnp.int32).reshape(_NW, _NCH, _CHUNK)
    u_emb, r_emb = _make_sc_gather()(uidx, ridx, user_table, recipe_table)
    out = _mlp(r_emb, u_emb, W1, b1.reshape(1, -1), W2, b2.reshape(1, -1),
               W3.reshape(1, -1), b3.reshape(1, 1))
    return out.reshape(_B)

# --- scband reference (transcript-rebuilt; emitter-appended) ---
"""Pipeline reference for scband-neural-cf-og-17532056502472 (READ-ONLY COPY).

The authoritative reference and input builder live on the scoring server;
editing this copy changes nothing except your own understanding.
"""

import jax, jax.numpy as jnp
import numpy as np

NUM_USERS = 100000
NUM_RECIPES = 100000
HSTATE = 128
BATCH = 16384

def setup_inputs(seed: int = 0) -> dict:
    key = jax.random.key(seed)
    ks = jax.random.split(key, 12)
    user = jax.random.randint(ks[0], (BATCH,), 0, NUM_USERS).astype(jnp.int64) if jax.config.jax_enable_x64 else jax.random.randint(ks[0], (BATCH,), 0, NUM_USERS)
    recipe = jax.random.randint(ks[1], (BATCH,), 0, NUM_RECIPES)
    user_table = jax.random.normal(ks[2], (NUM_USERS + 1, HSTATE), dtype=jnp.float32)
    recipe_table = jax.random.normal(ks[3], (NUM_RECIPES + 1, HSTATE), dtype=jnp.float32)
    # padding_idx=0 rows zeroed, as nn.Embedding(padding_idx=0) does
    user_table = user_table.at[0].set(0.0)
    recipe_table = recipe_table.at[0].set(0.0)
    W1 = jax.random.normal(ks[4], (HSTATE * 2, 100), dtype=jnp.float32) * (1.0 / np.sqrt(HSTATE * 2))
    b1 = jax.random.normal(ks[5], (100,), dtype=jnp.float32) * 0.01
    W2 = jax.random.normal(ks[6], (100, 50), dtype=jnp.float32) * (1.0 / np.sqrt(100))
    b2 = jax.random.normal(ks[7], (50,), dtype=jnp.float32) * 0.01
    W3 = jax.random.normal(ks[8], (50, 1), dtype=jnp.float32) * (1.0 / np.sqrt(50))
    b3 = jax.random.normal(ks[9], (1,), dtype=jnp.float32) * 0.01
    return {"user": user, "recipe": recipe, "user_table": user_table, "recipe_table": recipe_table,
            "W1": W1, "b1": b1, "W2": W2, "b2": b2, "W3": W3, "b3": b3}


def reference(user, recipe, user_table, recipe_table, W1, b1, W2, b2, W3, b3):
    recipe_emb = jnp.take(recipe_table, recipe, axis=0)
    user_emb = jnp.take(user_table, user, axis=0)
    feat_concat = jnp.concatenate((recipe_emb, user_emb), axis=1)
    r1 = feat_concat @ W1 + b1
    r1 = jax.nn.relu(r1)
    # dropout is identity in eval mode
    r1 = r1 @ W2 + b2
    r1 = jax.nn.relu(r1)
    r1 = r1 @ W3 + b3
    score = jnp.squeeze(r1)
    return score

if __name__ == "__main__":
    import jax
    _d = setup_inputs()
    print(jax.jit(kernel)(*tuple(_d.values())))

</pallas_src>

<mosaic_0001>
#map = affine_map<(d0, d1) -> (0, 0, 0)>
#map1 = affine_map<(d0, d1) -> (0, 0)>
module attributes {stable_mosaic.version = 14 : i64} {
  func.func @_sc_gather(%arg0: i32, %arg1: i32, %arg2: memref<32x4x128xi32, #tpu.memory_space<hbm>>, %arg3: memref<32x4x128xi32, #tpu.memory_space<hbm>>, %arg4: memref<100001x128xf32, #tpu.memory_space<hbm>>, %arg5: memref<100001x128xf32, #tpu.memory_space<hbm>>, %arg6: memref<16384x128xf32, #tpu.memory_space<hbm>>, %arg7: memref<16384x128xf32, #tpu.memory_space<hbm>>, %arg8: memref<4x128xi32, #tpu.memory_space<vmem>>, %arg9: memref<4x128xi32, #tpu.memory_space<vmem>>, %arg10: memref<2x128x128xf32, #tpu.memory_space<vmem>>, %arg11: memref<2x128x128xf32, #tpu.memory_space<vmem>>, %arg12: memref<!tpu.dma_semaphore, #tpu.memory_space<semaphore_mem>>, %arg13: memref<!tpu.dma_semaphore, #tpu.memory_space<semaphore_mem>>, %arg14: memref<!tpu.dma_semaphore, #tpu.memory_space<semaphore_mem>>, %arg15: memref<!tpu.dma_semaphore, #tpu.memory_space<semaphore_mem>>) attributes {dimension_semantics = [#tpu.dimension_semantics<core_parallel>, #tpu.dimension_semantics<subcore_parallel>], iteration_bounds = array<i64: 2, 16>, scalar_prefetch = 0 : i64, scratch_operands = 8 : i64, tpu.core_type = #tpu.core_type<sc_vector_subcore>, window_params = [{transform_indices = #map}, {transform_indices = #map}, {transform_indices = #map1}, {transform_indices = #map1}, {transform_indices = #map1}, {transform_indices = #map1}]} {
    %mul3A = arith.constant 2 : i32
    %mul3A_0 = arith.muli %arg1, %mul3A : i32
    %add3A = arith.addi %mul3A_0, %arg0 : i32
    %mul3A_1 = arith.constant 512 : i32
    %mul3A_2 = arith.muli %add3A, %mul3A_1 : i32
    "tpu.region"() ({
      %run_scoped3A = tpu.sem_alloc : memref<!tpu.dma_semaphore, #tpu.memory_space<semaphore_mem>>
      %dma_start3A_409 = arith.constant 0 : i32
      %dma_start3A_410 = arith.constant 0 : i32
      %dma_start3A_411 = tpu.memref_slice %arg2[%add3A, %dma_start3A_409, %dma_start3A_410] : memref<32x4x128xi32, #tpu.memory_space<hbm>> -> memref<1x4x128xi32, #tpu.memory_space<hbm>>
      %dma_start3A_412 = tpu.memref_squeeze %dma_start3A_411 : memref<1x4x128xi32, #tpu.memory_space<hbm>> -> memref<4x128xi32, #tpu.memory_space<hbm>>
      %dma_start3A_413 = arith.constant 0 : i32
      %dma_start3A_414 = arith.constant 0 : i32
      %dma_start3A_415 = tpu.memref_slice %arg2[%add3A, %dma_start3A_413, %dma_start3A_414] : memref<32x4x128xi32, #tpu.memory_space<hbm>> -> memref<1x4x128xi32, #tpu.memory_space<hbm>>
      %dma_start3A_416 = tpu.memref_squeeze %dma_start3A_415 : memref<1x4x128xi32, #tpu.memory_space<hbm>> -> memref<4x128xi32, #tpu.memory_space<hbm>>
      tpu.enqueue_dma source(%dma_start3A_416 : memref<4x128xi32, #tpu.memory_space<hbm>>) target(%arg8 : memref<4x128xi32, #tpu.memory_space<vmem>>) target_semaphore(%run_scoped3A : memref<!tpu.dma_semaphore, #tpu.memory_space<semaphore_mem>>)
      %dma_wait3A_417 = arith.constant 0 : i32
      %dma_wait3A_418 = arith.constant 0 : i32
      %dma_wait3A_419 = tpu.memref_slice %arg2[%add3A, %dma_wait3A_417, %dma_wait3A_418] : memref<32x4x128xi32, #tpu.memory_space<hbm>> -> memref<1x4x128xi32, #tpu.memory_space<hbm>>
      %dma_wait3A_420 = tpu.memref_squeeze %dma_wait3A_419 : memref<1x4x128xi32, #tpu.memory_space<hbm>> -> memref<4x128xi32, #tpu.memory_space<hbm>>
      %dma_wait3A_421 = arith.constant 0 : i32
      %dma_wait3A_422 = arith.constant 0 : i32
      %dma_wait3A_423 = tpu.memref_slice %arg2[%add3A, %dma_wait3A_421, %dma_wait3A_422] : memref<32x4x128xi32, #tpu.memory_space<hbm>> -> memref<1x4x128xi32, #tpu.memory_space<hbm>>
      %dma_wait3A_424 = tpu.memref_squeeze %dma_wait3A_423 : memref<1x4x128xi32, #tpu.memory_space<hbm>> -> memref<4x128xi32, #tpu.memory_space<hbm>>
      tpu.wait_dma2 semaphore(%run_scoped3A : memref<!tpu.dma_semaphore, #tpu.memory_space<semaphore_mem>>) src(%dma_wait3A_424 : memref<4x128xi32, #tpu.memory_space<hbm>>) dst(%arg8 : memref<4x128xi32, #tpu.memory_space<vmem>>)
      tpu.yield
    }) : () -> ()
    "tpu.region"() ({
      %run_scoped3A = tpu.sem_alloc : memref<!tpu.dma_semaphore, #tpu.memory_space<semaphore_mem>>
      %dma_start3A_409 = arith.constant 0 : i32
      %dma_start3A_410 = arith.constant 0 : i32
      %dma_start3A_411 = tpu.memref_slice %arg3[%add3A, %dma_start3A_409, %dma_start3A_410] : memref<32x4x128xi32, #tpu.memory_space<hbm>> -> memref<1x4x128xi32, #tpu.memory_space<hbm>>
      %dma_start3A_412 = tpu.memref_squeeze %dma_start3A_411 : memref<1x4x128xi32, #tpu.memory_space<hbm>> -> memref<4x128xi32, #tpu.memory_space<hbm>>
      %dma_start3A_413 = arith.constant 0 : i32
      %dma_start3A_414 = arith.constant 0 : i32
      %dma_start3A_415 = tpu.memref_slice %arg3[%add3A, %dma_start3A_413, %dma_start3A_414] : memref<32x4x128xi32, #tpu.memory_space<hbm>> -> memref<1x4x128xi32, #tpu.memory_space<hbm>>
      %dma_start3A_416 = tpu.memref_squeeze %dma_start3A_415 : memref<1x4x128xi32, #tpu.memory_space<hbm>> -> memref<4x128xi32, #tpu.memory_space<hbm>>
      tpu.enqueue_dma source(%dma_start3A_416 : memref<4x128xi32, #tpu.memory_space<hbm>>) target(%arg9 : memref<4x128xi32, #tpu.memory_space<vmem>>) target_semaphore(%run_scoped3A : memref<!tpu.dma_semaphore, #tpu.memory_space<semaphore_mem>>)
      %dma_wait3A_417 = arith.constant 0 : i32
      %dma_wait3A_418 = arith.constant 0 : i32
      %dma_wait3A_419 = tpu.memref_slice %arg3[%add3A, %dma_wait3A_417, %dma_wait3A_418] : memref<32x4x128xi32, #tpu.memory_space<hbm>> -> memref<1x4x128xi32, #tpu.memory_space<hbm>>
      %dma_wait3A_420 = tpu.memref_squeeze %dma_wait3A_419 : memref<1x4x128xi32, #tpu.memory_space<hbm>> -> memref<4x128xi32, #tpu.memory_space<hbm>>
      %dma_wait3A_421 = arith.constant 0 : i32
      %dma_wait3A_422 = arith.constant 0 : i32
      %dma_wait3A_423 = tpu.memref_slice %arg3[%add3A, %dma_wait3A_421, %dma_wait3A_422] : memref<32x4x128xi32, #tpu.memory_space<hbm>> -> memref<1x4x128xi32, #tpu.memory_space<hbm>>
      %dma_wait3A_424 = tpu.memref_squeeze %dma_wait3A_423 : memref<1x4x128xi32, #tpu.memory_space<hbm>> -> memref<4x128xi32, #tpu.memory_space<hbm>>
      tpu.wait_dma2 semaphore(%run_scoped3A : memref<!tpu.dma_semaphore, #tpu.memory_space<semaphore_mem>>) src(%dma_wait3A_424 : memref<4x128xi32, #tpu.memory_space<hbm>>) dst(%arg9 : memref<4x128xi32, #tpu.memory_space<vmem>>)
      tpu.yield
    }) : () -> ()
    %dma_start3A = arith.constant 0 : i32
    %dma_start3A_3 = arith.constant 0 : i32
    %dma_start3A_4 = arith.constant 0 : i32
    %dma_start3A_5 = arith.constant 0 : i32
    %dma_start3A_6 = tpu.memref_slice %arg10[%dma_start3A_3, %dma_start3A_4, %dma_start3A_5] : memref<2x128x128xf32, #tpu.memory_space<vmem>> -> memref<1x128x128xf32, #tpu.memory_space<vmem>>
    %dma_start3A_7 = tpu.memref_squeeze %dma_start3A_6 : memref<1x128x128xf32, #tpu.memory_space<vmem>> -> memref<128x128xf32, #tpu.memory_space<vmem>>
    %dma_start3A_8 = arith.constant 0 : i32
    %dma_start3A_9 = tpu.memref_slice %arg8[%dma_start3A, %dma_start3A_8] : memref<4x128xi32, #tpu.memory_space<vmem>> -> memref<1x128xi32, #tpu.memory_space<vmem>>
    %dma_start3A_10 = tpu.memref_squeeze %dma_start3A_9 : memref<1x128xi32, #tpu.memory_space<vmem>> -> memref<128xi32, #tpu.memory_space<vmem>>
    %dma_start3A_11 = arith.constant 0 : i32
    %dma_start3A_12 = arith.constant 0 : i32
    %dma_start3A_13 = tpu.memref_slice %arg4[%dma_start3A_11, %dma_start3A_12] : memref<100001x128xf32, #tpu.memory_space<hbm>> -> memref<100001x128xf32, #tpu.memory_space<hbm>>
    tpu.enqueue_indirect_dma source(%dma_start3A_13 : memref<100001x128xf32, #tpu.memory_space<hbm>>) target(%dma_start3A_7 : memref<128x128xf32, #tpu.memory_space<vmem>>) offsets(%dma_start3A_10 : memref<128xi32, #tpu.memory_space<vmem>>) semaphore(%arg12 : memref<!tpu.dma_semaphore, #tpu.memory_space<semaphore_mem>>)
    %dma_start3A_14 = arith.constant 0 : i32
    %dma_start3A_15 = arith.constant 0 : i32
    %dma_start3A_16 = arith.constant 0 : i32
    %dma_start3A_17 = arith.constant 0 : i32
    %dma_start3A_18 = tpu.memref_slice %arg11[%dma_start3A_15, %dma_start3A_16, %dma_start3A_17] : memref<2x128x128xf32, #tpu.memory_space<vmem>> -> memref<1x128x128xf32, #tpu.memory_space<vmem>>
    %dma_start3A_19 = tpu.memref_squeeze %dma_start3A_18 : memref<1x128x128xf32, #tpu.memory_space<vmem>> -> memref<128x128xf32, #tpu.memory_space<vmem>>
    %dma_start3A_20 = arith.constant 0 : i32
    %dma_start3A_21 = tpu.memref_slice %arg9[%dma_start3A_14, %dma_start3A_20] : memref<4x128xi32, #tpu.memory_space<vmem>> -> memref<1x128xi32, #tpu.memory_space<vmem>>
    %dma_start3A_22 = tpu.memref_squeeze %dma_start3A_21 : memref<1x128xi32, #tpu.memory_space<vmem>> -> memref<128xi32, #tpu.memory_space<vmem>>
    %dma_start3A_23 = arith.constant 0 : i32
    %dma_start3A_24 = arith.constant 0 : i32
    %dma_start3A_25 = tpu.memref_slice %arg5[%dma_start3A_23, %dma_start3A_24] : memref<100001x128xf32, #tpu.memory_space<hbm>> -> memref<100001x128xf32, #tpu.memory_space<hbm>>
    tpu.enqueue_indirect_dma source(%dma_start3A_25 : memref<100001x128xf32, #tpu.memory_space<hbm>>) target(%dma_start3A_19 : memref<128x128xf32, #tpu.memory_space<vmem>>) offsets(%dma_start3A_22 : memref<128xi32, #tpu.memory_space<vmem>>) semaphore(%arg13 : memref<!tpu.dma_semaphore, #tpu.memory_space<semaphore_mem>>)
    %dma_start3A_26 = arith.constant 1 : i32
    %dma_start3A_27 = arith.constant 1 : i32
    %dma_start3A_28 = arith.constant 0 : i32
    %dma_start3A_29 = arith.constant 0 : i32
    %dma_start3A_30 = tpu.memref_slice %arg10[%dma_start3A_27, %dma_start3A_28, %dma_start3A_29] : memref<2x128x128xf32, #tpu.memory_space<vmem>> -> memref<1x128x128xf32, #tpu.memory_space<vmem>>
    %dma_start3A_31 = tpu.memref_squeeze %dma_start3A_30 : memref<1x128x128xf32, #tpu.memory_space<vmem>> -> memref<128x128xf32, #tpu.memory_space<vmem>>
    %dma_start3A_32 = arith.constant 0 : i32
    %dma_start3A_33 = tpu.memref_slice %arg8[%dma_start3A_26, %dma_start3A_32] : memref<4x128xi32, #tpu.memory_space<vmem>> -> memref<1x128xi32, #tpu.memory_space<vmem>>
    %dma_start3A_34 = tpu.memref_squeeze %dma_start3A_33 : memref<1x128xi32, #tpu.memory_space<vmem>> -> memref<128xi32, #tpu.memory_space<vmem>>
    %dma_start3A_35 = arith.constant 0 : i32
    %dma_start3A_36 = arith.constant 0 : i32
    %dma_start3A_37 = tpu.memref_slice %arg4[%dma_start3A_35, %dma_start3A_36] : memref<100001x128xf32, #tpu.memory_space<hbm>> -> memref<100001x128xf32, #tpu.memory_space<hbm>>
    tpu.enqueue_indirect_dma source(%dma_start3A_37 : memref<100001x128xf32, #tpu.memory_space<hbm>>) target(%dma_start3A_31 : memref<128x128xf32, #tpu.memory_space<vmem>>) offsets(%dma_start3A_34 : memref<128xi32, #tpu.memory_space<vmem>>) semaphore(%arg12 : memref<!tpu.dma_semaphore, #tpu.memory_space<semaphore_mem>>)
    %dma_start3A_38 = arith.constant 1 : i32
    %dma_start3A_39 = arith.constant 1 : i32
    %dma_start3A_40 = arith.constant 0 : i32
    %dma_start3A_41 = arith.constant 0 : i32
    %dma_start3A_42 = tpu.memref_slice %arg11[%dma_start3A_39, %dma_start3A_40, %dma_start3A_41] : memref<2x128x128xf32, #tpu.memory_space<vmem>> -> memref<1x128x128xf32, #tpu.memory_space<vmem>>
    %dma_start3A_43 = tpu.memref_squeeze %dma_start3A_42 : memref<1x128x128xf32, #tpu.memory_space<vmem>> -> memref<128x128xf32, #tpu.memory_space<vmem>>
    %dma_start3A_44 = arith.constant 0 : i32
    %dma_start3A_45 = tpu.memref_slice %arg9[%dma_start3A_38, %dma_start3A_44] : memref<4x128xi32, #tpu.memory_space<vmem>> -> memref<1x128xi32, #tpu.memory_space<vmem>>
    %dma_start3A_46 = tpu.memref_squeeze %dma_start3A_45 : memref<1x128xi32, #tpu.memory_space<vmem>> -> memref<128xi32, #tpu.memory_space<vmem>>
    %dma_start3A_47 = arith.constant 0 : i32
    %dma_start3A_48 = arith.constant 0 : i32
    %dma_start3A_49 = tpu.memref_slice %arg5[%dma_start3A_47, %dma_start3A_48] : memref<100001x128xf32, #tpu.memory_space<hbm>> -> memref<100001x128xf32, #tpu.memory_space<hbm>>
    tpu.enqueue_indirect_dma source(%dma_start3A_49 : memref<100001x128xf32, #tpu.memory_space<hbm>>) target(%dma_start3A_43 : memref<128x128xf32, #tpu.memory_space<vmem>>) offsets(%dma_start3A_46 : memref<128xi32, #tpu.memory_space<vmem>>) semaphore(%arg13 : memref<!tpu.dma_semaphore, #tpu.memory_space<semaphore_mem>>)
    %add3A_50 = arith.constant 0 : i32
    %add3A_51 = arith.addi %mul3A_2, %add3A_50 : i32
    %dma_wait3A = arith.constant 0 : i32
    %dma_wait3A_52 = arith.constant 0 : i32
    %dma_wait3A_53 = arith.constant 0 : i32
    %dma_wait3A_54 = arith.constant 0 : i32
    %dma_wait3A_55 = tpu.memref_slice %arg10[%dma_wait3A_52, %dma_wait3A_53, %dma_wait3A_54] : memref<2x128x128xf32, #tpu.memory_space<vmem>> -> memref<1x128x128xf32, #tpu.memory_space<vmem>>
    %dma_wait3A_56 = tpu.memref_squeeze %dma_wait3A_55 : memref<1x128x128xf32, #tpu.memory_space<vmem>> -> memref<128x128xf32, #tpu.memory_space<vmem>>
    %dma_wait3A_57 = arith.constant 0 : i32
    %dma_wait3A_58 = tpu.memref_slice %arg8[%dma_wait3A, %dma_wait3A_57] : memref<4x128xi32, #tpu.memory_space<vmem>> -> memref<1x128xi32, #tpu.memory_space<vmem>>
    %dma_wait3A_59 = tpu.memref_squeeze %dma_wait3A_58 : memref<1x128xi32, #tpu.memory_space<vmem>> -> memref<128xi32, #tpu.memory_space<vmem>>
    %dma_wait3A_60 = arith.constant 0 : i32
    %dma_wait3A_61 = arith.constant 0 : i32
    %dma_wait3A_62 = tpu.memref_slice %arg4[%dma_wait3A_60, %dma_wait3A_61] : memref<100001x128xf32, #tpu.memory_space<hbm>> -> memref<100001x128xf32, #tpu.memory_space<hbm>>
    tpu.wait_indirect_dma semaphore(%arg12 : memref<!tpu.dma_semaphore, #tpu.memory_space<semaphore_mem>>) src(%dma_wait3A_62 : memref<100001x128xf32, #tpu.memory_space<hbm>>) dst(%dma_wait3A_56 : memref<128x128xf32, #tpu.memory_space<vmem>>)
    %dma_start3A_63 = arith.constant 0 : i32
    %dma_start3A_64 = arith.constant 0 : i32
    %dma_start3A_65 = arith.constant 0 : i32
    %dma_start3A_66 = tpu.memref_slice %arg10[%dma_start3A_63, %dma_start3A_64, %dma_start3A_65] : memref<2x128x128xf32, #tpu.memory_space<vmem>> -> memref<1x128x128xf32, #tpu.memory_space<vmem>>
    %dma_start3A_67 = tpu.memref_squeeze %dma_start3A_66 : memref<1x128x128xf32, #tpu.memory_space<vmem>> -> memref<128x128xf32, #tpu.memory_space<vmem>>
    %dma_start3A_68 = arith.constant 0 : i32
    %dma_start3A_69 = tpu.memref_slice %arg6[%add3A_51, %dma_start3A_68] : memref<16384x128xf32, #tpu.memory_space<hbm>> -> memref<128x128xf32, #tpu.memory_space<hbm>>
    %dma_start3A_70 = arith.constant 0 : i32
    %dma_start3A_71 = tpu.memref_slice %arg6[%add3A_51, %dma_start3A_70] : memref<16384x128xf32, #tpu.memory_space<hbm>> -> memref<128x128xf32, #tpu.memory_space<hbm>>
    %dma_start3A_72 = arith.constant 0 : i32
    %dma_start3A_73 = arith.constant 0 : i32
    %dma_start3A_74 = tpu.memref_slice %arg10[%dma_start3A_63, %dma_start3A_72, %dma_start3A_73] : memref<2x128x128xf32, #tpu.memory_space<vmem>> -> memref<1x128x128xf32, #tpu.memory_space<vmem>>
    %dma_start3A_75 = tpu.memref_squeeze %dma_start3A_74 : memref<1x128x128xf32, #tpu.memory_space<vmem>> -> memref<128x128xf32, #tpu.memory_space<vmem>>
    tpu.enqueue_dma source(%dma_start3A_75 : memref<128x128xf32, #tpu.memory_space<vmem>>) target(%dma_start3A_71 : memref<128x128xf32, #tpu.memory_space<hbm>>) target_semaphore(%arg14 : memref<!tpu.dma_semaphore, #tpu.memory_space<semaphore_mem>>)
    %dma_wait3A_76 = arith.constant 0 : i32
    %dma_wait3A_77 = arith.constant 0 : i32
    %dma_wait3A_78 = arith.constant 0 : i32
    %dma_wait3A_79 = arith.constant 0 : i32
    %dma_wait3A_80 = tpu.memref_slice %arg11[%dma_wait3A_77, %dma_wait3A_78, %dma_wait3A_79] : memref<2x128x128xf32, #tpu.memory_space<vmem>> -> memref<1x128x128xf32, #tpu.memory_space<vmem>>
    %dma_wait3A_81 = tpu.memref_squeeze %dma_wait3A_80 : memref<1x128x128xf32, #tpu.memory_space<vmem>> -> memref<128x128xf32, #tpu.memory_space<vmem>>
    %dma_wait3A_82 = arith.constant 0 : i32
    %dma_wait3A_83 = tpu.memref_slice %arg9[%dma_wait3A_76, %dma_wait3A_82] : memref<4x128xi32, #tpu.memory_space<vmem>> -> memref<1x128xi32, #tpu.memory_space<vmem>>
    %dma_wait3A_84 = tpu.memref_squeeze %dma_wait3A_83 : memref<1x128xi32, #tpu.memory_space<vmem>> -> memref<128xi32, #tpu.memory_space<vmem>>
    %dma_wait3A_85 = arith.constant 0 : i32
    %dma_wait3A_86 = arith.constant 0 : i32
    %dma_wait3A_87 = tpu.memref_slice %arg5[%dma_wait3A_85, %dma_wait3A_86] : memref<100001x128xf32, #tpu.memory_space<hbm>> -> memref<100001x128xf32, #tpu.memory_space<hbm>>
    tpu.wait_indirect_dma semaphore(%arg13 : memref<!tpu.dma_semaphore, #tpu.memory_space<semaphore_mem>>) src(%dma_wait3A_87 : memref<100001x128xf32, #tpu.memory_space<hbm>>) dst(%dma_wait3A_81 : memref<128x128xf32, #tpu.memory_space<vmem>>)
    %dma_start3A_88 = arith.constant 0 : i32
    %dma_start3A_89 = arith.constant 0 : i32
    %dma_start3A_90 = arith.constant 0 : i32
    %dma_start3A_91 = tpu.memref_slice %arg11[%dma_start3A_88, %dma_start3A_89, %dma_start3A_90] : memref<2x128x128xf32, #tpu.memory_space<vmem>> -> memref<1x128x128xf32, #tpu.memory_space<vmem>>
    %dma_start3A_92 = tpu.memref_squeeze %dma_start3A_91 : memref<1x128x128xf32, #tpu.memory_space<vmem>> -> memref<128x128xf32, #tpu.memory_space<vmem>>
    %dma_start3A_93 = arith.constant 0 : i32
    %dma_start3A_94 = tpu.memref_slice %arg7[%add3A_51, %dma_start3A_93] : memref<16384x128xf32, #tpu.memory_space<hbm>> -> memref<128x128xf32, #tpu.memory_space<hbm>>
    %dma_start3A_95 = arith.constant 0 : i32
    %dma_start3A_96 = tpu.memref_slice %arg7[%add3A_51, %dma_start3A_95] : memref<16384x128xf32, #tpu.memory_space<hbm>> -> memref<128x128xf32, #tpu.memory_space<hbm>>
    %dma_start3A_97 = arith.constant 0 : i32
    %dma_start3A_98 = arith.constant 0 : i32
    %dma_start3A_99 = tpu.memref_slice %arg11[%dma_start3A_88, %dma_start3A_97, %dma_start3A_98] : memref<2x128x128xf32, #tpu.memory_space<vmem>> -> memref<1x128x128xf32, #tpu.memory_space<vmem>>
    %dma_start3A_100 = tpu.memref_squeeze %dma_start3A_99 : memref<1x128x128xf32, #tpu.memory_space<vmem>> -> memref<128x128xf32, #tpu.memory_space<vmem>>
    tpu.enqueue_dma source(%dma_start3A_100 : memref<128x128xf32, #tpu.memory_space<vmem>>) target(%dma_start3A_96 : memref<128x128xf32, #tpu.memory_space<hbm>>) target_semaphore(%arg15 : memref<!tpu.dma_semaphore, #tpu.memory_space<semaphore_mem>>)
    %dma_wait3A_101 = arith.constant 0 : i32
    %dma_wait3A_102 = arith.constant 0 : i32
    %dma_wait3A_103 = arith.constant 0 : i32
    %dma_wait3A_104 = tpu.memref_slice %arg10[%dma_wait3A_101, %dma_wait3A_102, %dma_wait3A_103] : memref<2x128x128xf32, #tpu.memory_space<vmem>> -> memref<1x128x128xf32, #tpu.memory_space<vmem>>
    %dma_wait3A_105 = tpu.memref_squeeze %dma_wait3A_104 : memref<1x128x128xf32, #tpu.memory_space<vmem>> -> memref<128x128xf32, #tpu.memory_space<vmem>>
    %dma_wait3A_106 = arith.constant 0 : i32
    %dma_wait3A_107 = tpu.memref_slice %arg6[%add3A_51, %dma_wait3A_106] : memref<16384x128xf32, #tpu.memory_space<hbm>> -> memref<128x128xf32, #tpu.memory_space<hbm>>
    %dma_wait3A_108 = arith.constant 0 : i32
    %dma_wait3A_109 = tpu.memref_slice %arg6[%add3A_51, %dma_wait3A_108] : memref<16384x128xf32, #tpu.memory_space<hbm>> -> memref<128x128xf32, #tpu.memory_space<hbm>>
    %dma_wait3A_110 = arith.constant 0 : i32
    %dma_wait3A_111 = arith.constant 0 : i32
    %dma_wait3A_112 = tpu.memref_slice %arg10[%dma_wait3A_101, %dma_wait3A_110, %dma_wait3A_111] : memref<2x128x128xf32, #tpu.memory_space<vmem>> -> memref<1x128x128xf32, #tpu.memory_space<vmem>>
    %dma_wait3A_113 = tpu.memref_squeeze %dma_wait3A_112 : memref<1x128x128xf32, #tpu.memory_space<vmem>> -> memref<128x128xf32, #tpu.memory_space<vmem>>
    tpu.wait_dma2 semaphore(%arg14 : memref<!tpu.dma_semaphore, #tpu.memory_space<semaphore_mem>>) src(%dma_wait3A_113 : memref<128x128xf32, #tpu.memory_space<vmem>>) dst(%dma_wait3A_109 : memref<128x128xf32, #tpu.memory_space<hbm>>)
    %dma_start3A_114 = arith.constant 2 : i32
    %dma_start3A_115 = arith.constant 0 : i32
    %dma_start3A_116 = arith.constant 0 : i32
    %dma_start3A_117 = arith.constant 0 : i32
    %dma_start3A_118 = tpu.memref_slice %arg10[%dma_start3A_115, %dma_start3A_116, %dma_start3A_117] : memref<2x128x128xf32, #tpu.memory_space<vmem>> -> memref<1x128x128xf32, #tpu.memory_space<vmem>>
    %dma_start3A_119 = tpu.memref_squeeze %dma_start3A_118 : memref<1x128x128xf32, #tpu.memory_space<vmem>> -> memref<128x128xf32, #tpu.memory_space<vmem>>
    %dma_start3A_120 = arith.constant 0 : i32
    %dma_start3A_121 = tpu.memref_slice %arg8[%dma_start3A_114, %dma_start3A_120] : memref<4x128xi32, #tpu.memory_space<vmem>> -> memref<1x128xi32, #tpu.memory_space<vmem>>
    %dma_start3A_122 = tpu.memref_squeeze %dma_start3A_121 : memref<1x128xi32, #tpu.memory_space<vmem>> -> memref<128xi32, #tpu.memory_space<vmem>>
    %dma_start3A_123 = arith.constant 0 : i32
    %dma_start3A_124 = arith.constant 0 : i32
    %dma_start3A_125 = tpu.memref_slice %arg4[%dma_start3A_123, %dma_start3A_124] : memref<100001x128xf32, #tpu.memory_space<hbm>> -> memref<100001x128xf32, #tpu.memory_space<hbm>>
    tpu.enqueue_indirect_dma source(%dma_start3A_125 : memref<100001x128xf32, #tpu.memory_space<hbm>>) target(%dma_start3A_119 : memref<128x128xf32, #tpu.memory_space<vmem>>) offsets(%dma_start3A_122 : memref<128xi32, #tpu.memory_space<vmem>>) semaphore(%arg12 : memref<!tpu.dma_semaphore, #tpu.memory_space<semaphore_mem>>)
    %dma_wait3A_126 = arith.constant 0 : i32
    %dma_wait3A_127 = arith.constant 0 : i32
    %dma_wait3A_128 = arith.constant 0 : i32
    %dma_wait3A_129 = tpu.memref_slice %arg11[%dma_wait3A_126, %dma_wait3A_127, %dma_wait3A_128] : memref<2x128x128xf32, #tpu.memory_space<vmem>> -> memref<1x128x128xf32, #tpu.memory_space<vmem>>
    %dma_wait3A_130 = tpu.memref_squeeze %dma_wait3A_129 : memref<1x128x128xf32, #tpu.memory_space<vmem>> -> memref<128x128xf32, #tpu.memory_space<vmem>>
    %dma_wait3A_131 = arith.constant 0 : i32
    %dma_wait3A_132 = tpu.memref_slice %arg7[%add3A_51, %dma_wait3A_131] : memref<16384x128xf32, #tpu.memory_space<hbm>> -> memref<128x128xf32, #tpu.memory_space<hbm>>
    %dma_wait3A_133 = arith.constant 0 : i32
    %dma_wait3A_134 = tpu.memref_slice %arg7[%add3A_51, %dma_wait3A_133] : memref<16384x128xf32, #tpu.memory_space<hbm>> -> memref<128x128xf32, #tpu.memory_space<hbm>>
    %dma_wait3A_135 = arith.constant 0 : i32
    %dma_wait3A_136 = arith.constant 0 : i32
    %dma_wait3A_137 = tpu.memref_slice %arg11[%dma_wait3A_126, %dma_wait3A_135, %dma_wait3A_136] : memref<2x128x128xf32, #tpu.memory_space<vmem>> -> memref<1x128x128xf32, #tpu.memory_space<vmem>>
    %dma_wait3A_138 = tpu.memref_squeeze %dma_wait3A_137 : memref<1x128x128xf32, #tpu.memory_space<vmem>> -> memref<128x128xf32, #tpu.memory_space<vmem>>
    tpu.wait_dma2 semaphore(%arg15 : memref<!tpu.dma_semaphore, #tpu.memory_space<semaphore_mem>>) src(%dma_wait3A_138 : memref<128x128xf32, #tpu.memory_space<vmem>>) dst(%dma_wait3A_134 : memref<128x128xf32, #tpu.memory_space<hbm>>)
    %dma_start3A_139 = arith.constant 2 : i32
    %dma_start3A_140 = arith.constant 0 : i32
    %dma_start3A_141 = arith.constant 0 : i32
    %dma_start3A_142 = arith.constant 0 : i32
    %dma_start3A_143 = tpu.memref_slice %arg11[%dma_start3A_140, %dma_start3A_141, %dma_start3A_142] : memref<2x128x128xf32, #tpu.memory_space<vmem>> -> memref<1x128x128xf32, #tpu.memory_space<vmem>>
    %dma_start3A_144 = tpu.memref_squeeze %dma_start3A_143 : memref<1x128x128xf32, #tpu.memory_space<vmem>> -> memref<128x128xf32, #tpu.memory_space<vmem>>
    %dma_start3A_145 = arith.constant 0 : i32
    %dma_start3A_146 = tpu.memref_slice %arg9[%dma_start3A_139, %dma_start3A_145] : memref<4x128xi32, #tpu.memory_space<vmem>> -> memref<1x128xi32, #tpu.memory_space<vmem>>
    %dma_start3A_147 = tpu.memref_squeeze %dma_start3A_146 : memref<1x128xi32, #tpu.memory_space<vmem>> -> memref<128xi32, #tpu.memory_space<vmem>>
    %dma_start3A_148 = arith.constant 0 : i32
    %dma_start3A_149 = arith.constant 0 : i32
    %dma_start3A_150 = tpu.memref_slice %arg5[%dma_start3A_148, %dma_start3A_149] : memref<100001x128xf32, #tpu.memory_space<hbm>> -> memref<100001x128xf32, #tpu.memory_space<hbm>>
    tpu.enqueue_indirect_dma source(%dma_start3A_150 : memref<100001x128xf32, #tpu.memory_space<hbm>>) target(%dma_start3A_144 : memref<128x128xf32, #tpu.memory_space<vmem>>) offsets(%dma_start3A_147 : memref<128xi32, #tpu.memory_space<vmem>>) semaphore(%arg13 : memref<!tpu.dma_semaphore, #tpu.memory_space<semaphore_mem>>)
    %add3A_151 = arith.constant 128 : i32
    %add3A_152 = arith.addi %mul3A_2, %add3A_151 : i32
    %dma_wait3A_153 = arith.constant 1 : i32
    %dma_wait3A_154 = arith.constant 1 : i32
    %dma_wait3A_155 = arith.constant 0 : i32
    %dma_wait3A_156 = arith.constant 0 : i32
    %dma_wait3A_157 = tpu.memref_slice %arg10[%dma_wait3A_154, %dma_wait3A_155, %dma_wait3A_156] : memref<2x128x128xf32, #tpu.memory_space<vmem>> -> memref<1x128x128xf32, #tpu.memory_space<vmem>>
    %dma_wait3A_158 = tpu.memref_squeeze %dma_wait3A_157 : memref<1x128x128xf32, #tpu.memory_space<vmem>> -> memref<128x128xf32, #tpu.memory_space<vmem>>
    %dma_wait3A_159 = arith.constant 0 : i32
    %dma_wait3A_160 = tpu.memref_slice %arg8[%dma_wait3A_153, %dma_wait3A_159] : memref<4x128xi32, #tpu.memory_space<vmem>> -> memref<1x128xi32, #tpu.memory_space<vmem>>
    %dma_wait3A_161 = tpu.memref_squeeze %dma_wait3A_160 : memref<1x128xi32, #tpu.memory_space<vmem>> -> memref<128xi32, #tpu.memory_space<vmem>>
    %dma_wait3A_162 = arith.constant 0 : i32
    %dma_wait3A_163 = arith.constant 0 : i32
    %dma_wait3A_164 = tpu.memref_slice %arg4[%dma_wait3A_162, %dma_wait3A_163] : memref<100001x128xf32, #tpu.memory_space<hbm>> -> memref<100001x128xf32, #tpu.memory_space<hbm>>
    tpu.wait_indirect_dma semaphore(%arg12 : memref<!tpu.dma_semaphore, #tpu.memory_space<semaphore_mem>>) src(%dma_wait3A_164 : memref<100001x128xf32, #tpu.memory_space<hbm>>) dst(%dma_wait3A_158 : memref<128x128xf32, #tpu.memory_space<vmem>>)
    %dma_start3A_165 = arith.constant 1 : i32
    %dma_start3A_166 = arith.constant 0 : i32
    %dma_start3A_167 = arith.constant 0 : i32
    %dma_start3A_168 = tpu.memref_slice %arg10[%dma_start3A_165, %dma_start3A_166, %dma_start3A_167] : memref<2x128x128xf32, #tpu.memory_space<vmem>> -> memref<1x128x128xf32, #tpu.memory_space<vmem>>
    %dma_start3A_169 = tpu.memref_squeeze %dma_start3A_168 : memref<1x128x128xf32, #tpu.memory_space<vmem>> -> memref<128x128xf32, #tpu.memory_space<vmem>>
    %dma_start3A_170 = arith.constant 0 : i32
    %dma_start3A_171 = tpu.memref_slice %arg6[%add3A_152, %dma_start3A_170] : memref<16384x128xf32, #tpu.memory_space<hbm>> -> memref<128x128xf32, #tpu.memory_space<hbm>>
    %dma_start3A_172 = arith.constant 0 : i32
    %dma_start3A_173 = tpu.memref_slice %arg6[%add3A_152, %dma_start3A_172] : memref<16384x128xf32, #tpu.memory_space<hbm>> -> memref<128x128xf32, #tpu.memory_space<hbm>>
    %dma_start3A_174 = arith.constant 0 : i32
    %dma_start3A_175 = arith.constant 0 : i32
    %dma_start3A_176 = tpu.memref_slice %arg10[%dma_start3A_165, %dma_start3A_174, %dma_start3A_175] : memref<2x128x128xf32, #tpu.memory_space<vmem>> -> memref<1x128x128xf32, #tpu.memory_space<vmem>>
    %dma_start3A_177 = tpu.memref_squeeze %dma_start3A_176 : memref<1x128x128xf32, #tpu.memory_space<vmem>> -> memref<128x128xf32, #tpu.memory_space<vmem>>
    tpu.enqueue_dma source(%dma_start3A_177 : memref<128x128xf32, #tpu.memory_space<vmem>>) target(%dma_start3A_173 : memref<128x128xf32, #tpu.memory_space<hbm>>) target_semaphore(%arg14 : memref<!tpu.dma_semaphore, #tpu.memory_space<semaphore_mem>>)
    %dma_wait3A_178 = arith.constant 1 : i32
    %dma_wait3A_179 = arith.constant 1 : i32
    %dma_wait3A_180 = arith.constant 0 : i32
    %dma_wait3A_181 = arith.constant 0 : i32
    %dma_wait3A_182 = tpu.memref_slice %arg11[%dma_wait3A_179, %dma_wait3A_180, %dma_wait3A_181] : memref<2x128x128xf32, #tpu.memory_space<vmem>> -> memref<1x128x128xf32, #tpu.memory_space<vmem>>
    %dma_wait3A_183 = tpu.memref_squeeze %dma_wait3A_182 : memref<1x128x128xf32, #tpu.memory_space<vmem>> -> memref<128x128xf32, #tpu.memory_space<vmem>>
    %dma_wait3A_184 = arith.constant 0 : i32
    %dma_wait3A_185 = tpu.memref_slice %arg9[%dma_wait3A_178, %dma_wait3A_184] : memref<4x128xi32, #tpu.memory_space<vmem>> -> memref<1x128xi32, #tpu.memory_space<vmem>>
    %dma_wait3A_186 = tpu.memref_squeeze %dma_wait3A_185 : memref<1x128xi32, #tpu.memory_space<vmem>> -> memref<128xi32, #tpu.memory_space<vmem>>
    %dma_wait3A_187 = arith.constant 0 : i32
    %dma_wait3A_188 = arith.constant 0 : i32
    %dma_wait3A_189 = tpu.memref_slice %arg5[%dma_wait3A_187, %dma_wait3A_188] : memref<100001x128xf32, #tpu.memory_space<hbm>> -> memref<100001x128xf32, #tpu.memory_space<hbm>>
    tpu.wait_indirect_dma semaphore(%arg13 : memref<!tpu.dma_semaphore, #tpu.memory_space<semaphore_mem>>) src(%dma_wait3A_189 : memref<100001x128xf32, #tpu.memory_space<hbm>>) dst(%dma_wait3A_183 : memref<128x128xf32, #tpu.memory_space<vmem>>)
    %dma_start3A_190 = arith.constant 1 : i32
    %dma_start3A_191 = arith.constant 0 : i32
    %dma_start3A_192 = arith.constant 0 : i32
    %dma_start3A_193 = tpu.memref_slice %arg11[%dma_start3A_190, %dma_start3A_191, %dma_start3A_192] : memref<2x128x128xf32, #tpu.memory_space<vmem>> -> memref<1x128x128xf32, #tpu.memory_space<vmem>>
    %dma_start3A_194 = tpu.memref_squeeze %dma_start3A_193 : memref<1x128x128xf32, #tpu.memory_space<vmem>> -> memref<128x128xf32, #tpu.memory_space<vmem>>
    %dma_start3A_195 = arith.constant 0 : i32
    %dma_start3A_196 = tpu.memref_slice %arg7[%add3A_152, %dma_start3A_195] : memref<16384x128xf32, #tpu.memory_space<hbm>> -> memref<128x128xf32, #tpu.memory_space<hbm>>
    %dma_start3A_197 = arith.constant 0 : i32
    %dma_start3A_198 = tpu.memref_slice %arg7[%add3A_152, %dma_start3A_197] : memref<16384x128xf32, #tpu.memory_space<hbm>> -> memref<128x128xf32, #tpu.memory_space<hbm>>
    %dma_start3A_199 = arith.constant 0 : i32
    %dma_start3A_200 = arith.constant 0 : i32
    %dma_start3A_201 = tpu.memref_slice %arg11[%dma_start3A_190, %dma_start3A_199, %dma_start3A_200] : memref<2x128x128xf32, #tpu.memory_space<vmem>> -> memref<1x128x128xf32, #tpu.memory_space<vmem>>
    %dma_start3A_202 = tpu.memref_squeeze %dma_start3A_201 : memref<1x128x128xf32, #tpu.memory_space<vmem>> -> memref<128x128xf32, #tpu.memory_space<vmem>>
    tpu.enqueue_dma source(%dma_start3A_202 : memref<128x128xf32, #tpu.memory_space<vmem>>) target(%dma_start3A_198 : memref<128x128xf32, #tpu.memory_space<hbm>>) target_semaphore(%arg15 : memref<!tpu.dma_semaphore, #tpu.memory_space<semaphore_mem>>)
    %dma_wait3A_203 = arith.constant 1 : i32
    %dma_wait3A_204 = arith.constant 0 : i32
    %dma_wait3A_205 = arith.constant 0 : i32
    %dma_wait3A_206 = tpu.memref_slice %arg10[%dma_wait3A_203, %dma_wait3A_204, %dma_wait3A_205] : memref<2x128x128xf32, #tpu.memory_space<vmem>> -> memref<1x128x128xf32, #tpu.memory_space<vmem>>
    %dma_wait3A_207 = tpu.memref_squeeze %dma_wait3A_206 : memref<1x128x128xf32, #tpu.memory_space<vmem>> -> memref<128x128xf32, #tpu.memory_space<vmem>>
    %dma_wait3A_208 = arith.constant 0 : i32
    %dma_wait3A_209 = tpu.memref_slice %arg6[%add3A_152, %dma_wait3A_208] : memref<16384x128xf32, #tpu.memory_space<hbm>> -> memref<128x128xf32, #tpu.memory_space<hbm>>
    %dma_wait3A_210 = arith.constant 0 : i32
    %dma_wait3A_211 = tpu.memref_slice %arg6[%add3A_152, %dma_wait3A_210] : memref<16384x128xf32, #tpu.memory_space<hbm>> -> memref<128x128xf32, #tpu.memory_space<hbm>>
    %dma_wait3A_212 = arith.constant 0 : i32
    %dma_wait3A_213 = arith.constant 0 : i32
    %dma_wait3A_214 = tpu.memref_slice %arg10[%dma_wait3A_203, %dma_wait3A_212, %dma_wait3A_213] : memref<2x128x128xf32, #tpu.memory_space<vmem>> -> memref<1x128x128xf32, #tpu.memory_space<vmem>>
    %dma_wait3A_215 = tpu.memref_squeeze %dma_wait3A_214 : memref<1x128x128xf32, #tpu.memory_space<vmem>> -> memref<128x128xf32, #tpu.memory_space<vmem>>
    tpu.wait_dma2 semaphore(%arg14 : memref<!tpu.dma_semaphore, #tpu.memory_space<semaphore_mem>>) src(%dma_wait3A_215 : memref<128x128xf32, #tpu.memory_space<vmem>>) dst(%dma_wait3A_211 : memref<128x128xf32, #tpu.memory_space<hbm>>)
    %dma_start3A_216 = arith.constant 3 : i32
    %dma_start3A_217 = arith.constant 1 : i32
    %dma_start3A_218 = arith.constant 0 : i32
    %dma_start3A_219 = arith.constant 0 : i32
    %dma_start3A_220 = tpu.memref_slice %arg10[%dma_start3A_217, %dma_start3A_218, %dma_start3A_219] : memref<2x128x128xf32, #tpu.memory_space<vmem>> -> memref<1x128x128xf32, #tpu.memory_space<vmem>>
    %dma_start3A_221 = tpu.memref_squeeze %dma_start3A_220 : memref<1x128x128xf32, #tpu.memory_space<vmem>> -> memref<128x128xf32, #tpu.memory_space<vmem>>
    %dma_start3A_222 = arith.constant 0 : i32
    %dma_start3A_223 = tpu.memref_slice %arg8[%dma_start3A_216, %dma_start3A_222] : memref<4x128xi32, #tpu.memory_space<vmem>> -> memref<1x128xi32, #tpu.memory_space<vmem>>
    %dma_start3A_224 = tpu.memref_squeeze %dma_start3A_223 : memref<1x128xi32, #tpu.memory_space<vmem>> -> memref<128xi32, #tpu.memory_space<vmem>>
    %dma_start3A_225 = arith.constant 0 : i32
    %dma_start3A_226 = arith.constant 0 : i32
    %dma_start3A_227 = tpu.memref_slice %arg4[%dma_start3A_225, %dma_start3A_226] : memref<100001x128xf32, #tpu.memory_space<hbm>> -> memref<100001x128xf32, #tpu.memory_space<hbm>>
    tpu.enqueue_indirect_dma source(%dma_start3A_227 : memref<100001x128xf32, #tpu.memory_space<hbm>>) target(%dma_start3A_221 : memref<128x128xf32, #tpu.memory_space<vmem>>) offsets(%dma_start3A_224 : memref<128xi32, #tpu.memory_space<vmem>>) semaphore(%arg12 : memref<!tpu.dma_semaphore, #tpu.memory_space<semaphore_mem>>)
    %dma_wait3A_228 = arith.constant 1 : i32
    %dma_wait3A_229 = arith.constant 0 : i32
    %dma_wait3A_230 = arith.constant 0 : i32
    %dma_wait3A_231 = tpu.memref_slice %arg11[%dma_wait3A_228, %dma_wait3A_229, %dma_wait3A_230] : memref<2x128x128xf32, #tpu.memory_space<vmem>> -> memref<1x128x128xf32, #tpu.memory_space<vmem>>
    %dma_wait3A_232 = tpu.memref_squeeze %dma_wait3A_231 : memref<1x128x128xf32, #tpu.memory_space<vmem>> -> memref<128x128xf32, #tpu.memory_space<vmem>>
    %dma_wait3A_233 = arith.constant 0 : i32
    %dma_wait3A_234 = tpu.memref_slice %arg7[%add3A_152, %dma_wait3A_233] : memref<16384x128xf32, #tpu.memory_space<hbm>> -> memref<128x128xf32, #tpu.memory_space<hbm>>
    %dma_wait3A_235 = arith.constant 0 : i32
    %dma_wait3A_236 = tpu.memref_slice %arg7[%add3A_152, %dma_wait3A_235] : memref<16384x128xf32, #tpu.memory_space<hbm>> -> memref<128x128xf32, #tpu.memory_space<hbm>>
    %dma_wait3A_237 = arith.constant 0 : i32
    %dma_wait3A_238 = arith.constant 0 : i32
    %dma_wait3A_239 = tpu.memref_slice %arg11[%dma_wait3A_228, %dma_wait3A_237, %dma_wait3A_238] : memref<2x128x128xf32, #tpu.memory_space<vmem>> -> memref<1x128x128xf32, #tpu.memory_space<vmem>>
    %dma_wait3A_240 = tpu.memref_squeeze %dma_wait3A_239 : memref<1x128x128xf32, #tpu.memory_space<vmem>> -> memref<128x128xf32, #tpu.memory_space<vmem>>
    tpu.wait_dma2 semaphore(%arg15 : memref<!tpu.dma_semaphore, #tpu.memory_space<semaphore_mem>>) src(%dma_wait3A_240 : memref<128x128xf32, #tpu.memory_space<vmem>>) dst(%dma_wait3A_236 : memref<128x128xf32, #tpu.memory_space<hbm>>)
    %dma_start3A_241 = arith.constant 3 : i32
    %dma_start3A_242 = arith.constant 1 : i32
    %dma_start3A_243 = arith.constant 0 : i32
    %dma_start3A_244 = arith.constant 0 : i32
    %dma_start3A_245 = tpu.memref_slice %arg11[%dma_start3A_242, %dma_start3A_243, %dma_start3A_244] : memref<2x128x128xf32, #tpu.memory_space<vmem>> -> memref<1x128x128xf32, #tpu.memory_space<vmem>>
    %dma_start3A_246 = tpu.memref_squeeze %dma_start3A_245 : memref<1x128x128xf32, #tpu.memory_space<vmem>> -> memref<128x128xf32, #tpu.memory_space<vmem>>
    %dma_start3A_247 = arith.constant 0 : i32
    %dma_start3A_248 = tpu.memref_slice %arg9[%dma_start3A_241, %dma_start3A_247] : memref<4x128xi32, #tpu.memory_space<vmem>> -> memref<1x128xi32, #tpu.memory_space<vmem>>
    %dma_start3A_249 = tpu.memref_squeeze %dma_start3A_248 : memref<1x128xi32, #tpu.memory_space<vmem>> -> memref<128xi32, #tpu.memory_space<vmem>>
    %dma_start3A_250 = arith.constant 0 : i32
    %dma_start3A_251 = arith.constant 0 : i32
    %dma_start3A_252 = tpu.memref_slice %arg5[%dma_start3A_250, %dma_start3A_251] : memref<100001x128xf32, #tpu.memory_space<hbm>> -> memref<100001x128xf32, #tpu.memory_space<hbm>>
    tpu.enqueue_indirect_dma source(%dma_start3A_252 : memref<100001x128xf32, #tpu.memory_space<hbm>>) target(%dma_start3A_246 : memref<128x128xf32, #tpu.memory_space<vmem>>) offsets(%dma_start3A_249 : memref<128xi32, #tpu.memory_space<vmem>>) semaphore(%arg13 : memref<!tpu.dma_semaphore, #tpu.memory_space<semaphore_mem>>)
    %add3A_253 = arith.constant 256 : i32
    %add3A_254 = arith.addi %mul3A_2, %add3A_253 : i32
    %dma_wait3A_255 = arith.constant 2 : i32
    %dma_wait3A_256 = arith.constant 0 : i32
    %dma_wait3A_257 = arith.constant 0 : i32
    %dma_wait3A_258 = arith.constant 0 : i32
    %dma_wait3A_259 = tpu.memref_slice %arg10[%dma_wait3A_256, %dma_wait3A_257, %dma_wait3A_258] : memref<2x128x128xf32, #tpu.memory_space<vmem>> -> memref<1x128x128xf32, #tpu.memory_space<vmem>>
    %dma_wait3A_260 = tpu.memref_squeeze %dma_wait3A_259 : memref<1x128x128xf32, #tpu.memory_space<vmem>> -> memref<128x128xf32, #tpu.memory_space<vmem>>
    %dma_wait3A_261 = arith.constant 0 : i32
    %dma_wait3A_262 = tpu.memref_slice %arg8[%dma_wait3A_255, %dma_wait3A_261] : memref<4x128xi32, #tpu.memory_space<vmem>> -> memref<1x128xi32, #tpu.memory_space<vmem>>
    %dma_wait3A_263 = tpu.memref_squeeze %dma_wait3A_262 : memref<1x128xi32, #tpu.memory_space<vmem>> -> memref<128xi32, #tpu.memory_space<vmem>>
    %dma_wait3A_264 = arith.constant 0 : i32
    %dma_wait3A_265 = arith.constant 0 : i32
    %dma_wait3A_266 = tpu.memref_slice %arg4[%dma_wait3A_264, %dma_wait3A_265] : memref<100001x128xf32, #tpu.memory_space<hbm>> -> memref<100001x128xf32, #tpu.memory_space<hbm>>
    tpu.wait_indirect_dma semaphore(%arg12 : memref<!tpu.dma_semaphore, #tpu.memory_space<semaphore_mem>>) src(%dma_wait3A_266 : memref<100001x128xf32, #tpu.memory_space<hbm>>) dst(%dma_wait3A_260 : memref<128x128xf32, #tpu.memory_space<vmem>>)
    %dma_start3A_267 = arith.constant 0 : i32
    %dma_start3A_268 = arith.constant 0 : i32
    %dma_start3A_269 = arith.constant 0 : i32
    %dma_start3A_270 = tpu.memref_slice %arg10[%dma_start3A_267, %dma_start3A_268, %dma_start3A_269] : memref<2x128x128xf32, #tpu.memory_space<vmem>> -> memref<1x128x128xf32, #tpu.memory_space<vmem>>
    %dma_start3A_271 = tpu.memref_squeeze %dma_start3A_270 : memref<1x128x128xf32, #tpu.memory_space<vmem>> -> memref<128x128xf32, #tpu.memory_space<vmem>>
    %dma_start3A_272 = arith.constant 0 : i32
    %dma_start3A_273 = tpu.memref_slice %arg6[%add3A_254, %dma_start3A_272] : memref<16384x128xf32, #tpu.memory_space<hbm>> -> memref<128x128xf32, #tpu.memory_space<hbm>>
    %dma_start3A_274 = arith.constant 0 : i32
    %dma_start3A_275 = tpu.memref_slice %arg6[%add3A_254, %dma_start3A_274] : memref<16384x128xf32, #tpu.memory_space<hbm>> -> memref<128x128xf32, #tpu.memory_space<hbm>>
    %dma_start3A_276 = arith.constant 0 : i32
    %dma_start3A_277 = arith.constant 0 : i32
    %dma_start3A_278 = tpu.memref_slice %arg10[%dma_start3A_267, %dma_start3A_276, %dma_start3A_277] : memref<2x128x128xf32, #tpu.memory_space<vmem>> -> memref<1x128x128xf32, #tpu.memory_space<vmem>>
    %dma_start3A_279 = tpu.memref_squeeze %dma_start3A_278 : memref<1x128x128xf32, #tpu.memory_space<vmem>> -> memref<128x128xf32, #tpu.memory_space<vmem>>
    tpu.enqueue_dma source(%dma_start3A_279 : memref<128x128xf32, #tpu.memory_space<vmem>>) target(%dma_start3A_275 : memref<128x128xf32, #tpu.memory_space<hbm>>) target_semaphore(%arg14 : memref<!tpu.dma_semaphore, #tpu.memory_space<semaphore_mem>>)
    %dma_wait3A_280 = arith.constant 2 : i32
    %dma_wait3A_281 = arith.constant 0 : i32
    %dma_wait3A_282 = arith.constant 0 : i32
    %dma_wait3A_283 = arith.constant 0 : i32
    %dma_wait3A_284 = tpu.memref_slice %arg11[%dma_wait3A_281, %dma_wait3A_282, %dma_wait3A_283] : memref<2x128x128xf32, #tpu.memory_space<vmem>> -> memref<1x128x128xf32, #tpu.memory_space<vmem>>
    %dma_wait3A_285 = tpu.memref_squeeze %dma_wait3A_284 : memref<1x128x128xf32, #tpu.memory_space<vmem>> -> memref<128x128xf32, #tpu.memory_space<vmem>>
    %dma_wait3A_286 = arith.constant 0 : i32
    %dma_wait3A_287 = tpu.memref_slice %arg9[%dma_wait3A_280, %dma_wait3A_286] : memref<4x128xi32, #tpu.memory_space<vmem>> -> memref<1x128xi32, #tpu.memory_space<vmem>>
    %dma_wait3A_288 = tpu.memref_squeeze %dma_wait3A_287 : memref<1x128xi32, #tpu.memory_space<vmem>> -> memref<128xi32, #tpu.memory_space<vmem>>
    %dma_wait3A_289 = arith.constant 0 : i32
    %dma_wait3A_290 = arith.constant 0 : i32
    %dma_wait3A_291 = tpu.memref_slice %arg5[%dma_wait3A_289, %dma_wait3A_290] : memref<100001x128xf32, #tpu.memory_space<hbm>> -> memref<100001x128xf32, #tpu.memory_space<hbm>>
    tpu.wait_indirect_dma semaphore(%arg13 : memref<!tpu.dma_semaphore, #tpu.memory_space<semaphore_mem>>) src(%dma_wait3A_291 : memref<100001x128xf32, #tpu.memory_space<hbm>>) dst(%dma_wait3A_285 : memref<128x128xf32, #tpu.memory_space<vmem>>)
    %dma_start3A_292 = arith.constant 0 : i32
    %dma_start3A_293 = arith.constant 0 : i32
    %dma_start3A_294 = arith.constant 0 : i32
    %dma_start3A_295 = tpu.memref_slice %arg11[%dma_start3A_292, %dma_start3A_293, %dma_start3A_294] : memref<2x128x128xf32, #tpu.memory_space<vmem>> -> memref<1x128x128xf32, #tpu.memory_space<vmem>>
    %dma_start3A_296 = tpu.memref_squeeze %dma_start3A_295 : memref<1x128x128xf32, #tpu.memory_space<vmem>> -> memref<128x128xf32, #tpu.memory_space<vmem>>
    %dma_start3A_297 = arith.constant 0 : i32
    %dma_start3A_298 = tpu.memref_slice %arg7[%add3A_254, %dma_start3A_297] : memref<16384x128xf32, #tpu.memory_space<hbm>> -> memref<128x128xf32, #tpu.memory_space<hbm>>
    %dma_start3A_299 = arith.constant 0 : i32
    %dma_start3A_300 = tpu.memref_slice %arg7[%add3A_254, %dma_start3A_299] : memref<16384x128xf32, #tpu.memory_space<hbm>> -> memref<128x128xf32, #tpu.memory_space<hbm>>
    %dma_start3A_301 = arith.constant 0 : i32
    %dma_start3A_302 = arith.constant 0 : i32
    %dma_start3A_303 = tpu.memref_slice %arg11[%dma_start3A_292, %dma_start3A_301, %dma_start3A_302] : memref<2x128x128xf32, #tpu.memory_space<vmem>> -> memref<1x128x128xf32, #tpu.memory_space<vmem>>
    %dma_start3A_304 = tpu.memref_squeeze %dma_start3A_303 : memref<1x128x128xf32, #tpu.memory_space<vmem>> -> memref<128x128xf32, #tpu.memory_space<vmem>>
    tpu.enqueue_dma source(%dma_start3A_304 : memref<128x128xf32, #tpu.memory_space<vmem>>) target(%dma_start3A_300 : memref<128x128xf32, #tpu.memory_space<hbm>>) target_semaphore(%arg15 : memref<!tpu.dma_semaphore, #tpu.memory_space<semaphore_mem>>)
    %add3A_305 = arith.constant 384 : i32
    %add3A_306 = arith.addi %mul3A_2, %add3A_305 : i32
    %dma_wait3A_307 = arith.constant 3 : i32
    %dma_wait3A_308 = arith.constant 1 : i32
    %dma_wait3A_309 = arith.constant 0 : i32
    %dma_wait3A_310 = arith.constant 0 : i32
    %dma_wait3A_311 = tpu.memref_slice %arg10[%dma_wait3A_308, %dma_wait3A_309, %dma_wait3A_310] : memref<2x128x128xf32, #tpu.memory_space<vmem>> -> memref<1x128x128xf32, #tpu.memory_space<vmem>>
    %dma_wait3A_312 = tpu.memref_squeeze %dma_wait3A_311 : memref<1x128x128xf32, #tpu.memory_space<vmem>> -> memref<128x128xf32, #tpu.memory_space<vmem>>
    %dma_wait3A_313 = arith.constant 0 : i32
    %dma_wait3A_314 = tpu.memref_slice %arg8[%dma_wait3A_307, %dma_wait3A_313] : memref<4x128xi32, #tpu.memory_space<vmem>> -> memref<1x128xi32, #tpu.memory_space<vmem>>
    %dma_wait3A_315 = tpu.memref_squeeze %dma_wait3A_314 : memref<1x128xi32, #tpu.memory_space<vmem>> -> memref<128xi32, #tpu.memory_space<vmem>>
    %dma_wait3A_316 = arith.constant 0 : i32
    %dma_wait3A_317 = arith.constant 0 : i32
    %dma_wait3A_318 = tpu.memref_slice %arg4[%dma_wait3A_316, %dma_wait3A_317] : memref<100001x128xf32, #tpu.memory_space<hbm>> -> memref<100001x128xf32, #tpu.memory_space<hbm>>
    tpu.wait_indirect_dma semaphore(%arg12 : memref<!tpu.dma_semaphore, #tpu.memory_space<semaphore_mem>>) src(%dma_wait3A_318 : memref<100001x128xf32, #tpu.memory_space<hbm>>) dst(%dma_wait3A_312 : memref<128x128xf32, #tpu.memory_space<vmem>>)
    %dma_start3A_319 = arith.constant 1 : i32
    %dma_start3A_320 = arith.constant 0 : i32
    %dma_start3A_321 = arith.constant 0 : i32
    %dma_start3A_322 = tpu.memref_slice %arg10[%dma_start3A_319, %dma_start3A_320, %dma_start3A_321] : memref<2x128x128xf32, #tpu.memory_space<vmem>> -> memref<1x128x128xf32, #tpu.memory_space<vmem>>
    %dma_start3A_323 = tpu.memref_squeeze %dma_start3A_322 : memref<1x128x128xf32, #tpu.memory_space<vmem>> -> memref<128x128xf32, #tpu.memory_space<vmem>>
    %dma_start3A_324 = arith.constant 0 : i32
    %dma_start3A_325 = tpu.memref_slice %arg6[%add3A_306, %dma_start3A_324] : memref<16384x128xf32, #tpu.memory_space<hbm>> -> memref<128x128xf32, #tpu.memory_space<hbm>>
    %dma_start3A_326 = arith.constant 0 : i32
    %dma_start3A_327 = tpu.memref_slice %arg6[%add3A_306, %dma_start3A_326] : memref<16384x128xf32, #tpu.memory_space<hbm>> -> memref<128x128xf32, #tpu.memory_space<hbm>>
    %dma_start3A_328 = arith.constant 0 : i32
    %dma_start3A_329 = arith.constant 0 : i32
    %dma_start3A_330 = tpu.memref_slice %arg10[%dma_start3A_319, %dma_start3A_328, %dma_start3A_329] : memref<2x128x128xf32, #tpu.memory_space<vmem>> -> memref<1x128x128xf32, #tpu.memory_space<vmem>>
    %dma_start3A_331 = tpu.memref_squeeze %dma_start3A_330 : memref<1x128x128xf32, #tpu.memory_space<vmem>> -> memref<128x128xf32, #tpu.memory_space<vmem>>
    tpu.enqueue_dma source(%dma_start3A_331 : memref<128x128xf32, #tpu.memory_space<vmem>>) target(%dma_start3A_327 : memref<128x128xf32, #tpu.memory_space<hbm>>) target_semaphore(%arg14 : memref<!tpu.dma_semaphore, #tpu.memory_space<semaphore_mem>>)
    %dma_wait3A_332 = arith.constant 3 : i32
    %dma_wait3A_333 = arith.constant 1 : i32
    %dma_wait3A_334 = arith.constant 0 : i32
    %dma_wait3A_335 = arith.constant 0 : i32
    %dma_wait3A_336 = tpu.memref_slice %arg11[%dma_wait3A_333, %dma_wait3A_334, %dma_wait3A_335] : memref<2x128x128xf32, #tpu.memory_space<vmem>> -> memref<1x128x128xf32, #tpu.memory_space<vmem>>
    %dma_wait3A_337 = tpu.memref_squeeze %dma_wait3A_336 : memref<1x128x128xf32, #tpu.memory_space<vmem>> -> memref<128x128xf32, #tpu.memory_space<vmem>>
    %dma_wait3A_338 = arith.constant 0 : i32
    %dma_wait3A_339 = tpu.memref_slice %arg9[%dma_wait3A_332, %dma_wait3A_338] : memref<4x128xi32, #tpu.memory_space<vmem>> -> memref<1x128xi32, #tpu.memory_space<vmem>>
    %dma_wait3A_340 = tpu.memref_squeeze %dma_wait3A_339 : memref<1x128xi32, #tpu.memory_space<vmem>> -> memref<128xi32, #tpu.memory_space<vmem>>
    %dma_wait3A_341 = arith.constant 0 : i32
    %dma_wait3A_342 = arith.constant 0 : i32
    %dma_wait3A_343 = tpu.memref_slice %arg5[%dma_wait3A_341, %dma_wait3A_342] : memref<100001x128xf32, #tpu.memory_space<hbm>> -> memref<100001x128xf32, #tpu.memory_space<hbm>>
    tpu.wait_indirect_dma semaphore(%arg13 : memref<!tpu.dma_semaphore, #tpu.memory_space<semaphore_mem>>) src(%dma_wait3A_343 : memref<100001x128xf32, #tpu.memory_space<hbm>>) dst(%dma_wait3A_337 : memref<128x128xf32, #tpu.memory_space<vmem>>)
    %dma_start3A_344 = arith.constant 1 : i32
    %dma_start3A_345 = arith.constant 0 : i32
    %dma_start3A_346 = arith.constant 0 : i32
    %dma_start3A_347 = tpu.memref_slice %arg11[%dma_start3A_344, %dma_start3A_345, %dma_start3A_346] : memref<2x128x128xf32, #tpu.memory_space<vmem>> -> memref<1x128x128xf32, #tpu.memory_space<vmem>>
    %dma_start3A_348 = tpu.memref_squeeze %dma_start3A_347 : memref<1x128x128xf32, #tpu.memory_space<vmem>> -> memref<128x128xf32, #tpu.memory_space<vmem>>
    %dma_start3A_349 = arith.constant 0 : i32
    %dma_start3A_350 = tpu.memref_slice %arg7[%add3A_306, %dma_start3A_349] : memref<16384x128xf32, #tpu.memory_space<hbm>> -> memref<128x128xf32, #tpu.memory_space<hbm>>
    %dma_start3A_351 = arith.constant 0 : i32
    %dma_start3A_352 = tpu.memref_slice %arg7[%add3A_306, %dma_start3A_351] : memref<16384x128xf32, #tpu.memory_space<hbm>> -> memref<128x128xf32, #tpu.memory_space<hbm>>
    %dma_start3A_353 = arith.constant 0 : i32
    %dma_start3A_354 = arith.constant 0 : i32
    %dma_start3A_355 = tpu.memref_slice %arg11[%dma_start3A_344, %dma_start3A_353, %dma_start3A_354] : memref<2x128x128xf32, #tpu.memory_space<vmem>> -> memref<1x128x128xf32, #tpu.memory_space<vmem>>
    %dma_start3A_356 = tpu.memref_squeeze %dma_start3A_355 : memref<1x128x128xf32, #tpu.memory_space<vmem>> -> memref<128x128xf32, #tpu.memory_space<vmem>>
    tpu.enqueue_dma source(%dma_start3A_356 : memref<128x128xf32, #tpu.memory_space<vmem>>) target(%dma_start3A_352 : memref<128x128xf32, #tpu.memory_space<hbm>>) target_semaphore(%arg15 : memref<!tpu.dma_semaphore, #tpu.memory_space<semaphore_mem>>)
    %dma_wait3A_357 = arith.constant 0 : i32
    %dma_wait3A_358 = arith.constant 0 : i32
    %dma_wait3A_359 = arith.constant 0 : i32
    %dma_wait3A_360 = tpu.memref_slice %arg10[%dma_wait3A_357, %dma_wait3A_358, %dma_wait3A_359] : memref<2x128x128xf32, #tpu.memory_space<vmem>> -> memref<1x128x128xf32, #tpu.memory_space<vmem>>
    %dma_wait3A_361 = tpu.memref_squeeze %dma_wait3A_360 : memref<1x128x128xf32, #tpu.memory_space<vmem>> -> memref<128x128xf32, #tpu.memory_space<vmem>>
    %dma_wait3A_362 = arith.constant 0 : i32
    %dma_wait3A_363 = tpu.memref_slice %arg6[%add3A_254, %dma_wait3A_362] : memref<16384x128xf32, #tpu.memory_space<hbm>> -> memref<128x128xf32, #tpu.memory_space<hbm>>
    %dma_wait3A_364 = arith.constant 0 : i32
    %dma_wait3A_365 = tpu.memref_slice %arg6[%add3A_254, %dma_wait3A_364] : memref<16384x128xf32, #tpu.memory_space<hbm>> -> memref<128x128xf32, #tpu.memory_space<hbm>>
    %dma_wait3A_366 = arith.constant 0 : i32
    %dma_wait3A_367 = arith.constant 0 : i32
    %dma_wait3A_368 = tpu.memref_slice %arg10[%dma_wait3A_357, %dma_wait3A_366, %dma_wait3A_367] : memref<2x128x128xf32, #tpu.memory_space<vmem>> -> memref<1x128x128xf32, #tpu.memory_space<vmem>>
    %dma_wait3A_369 = tpu.memref_squeeze %dma_wait3A_368 : memref<1x128x128xf32, #tpu.memory_space<vmem>> -> memref<128x128xf32, #tpu.memory_space<vmem>>
    tpu.wait_dma2 semaphore(%arg14 : memref<!tpu.dma_semaphore, #tpu.memory_space<semaphore_mem>>) src(%dma_wait3A_369 : memref<128x128xf32, #tpu.memory_space<vmem>>) dst(%dma_wait3A_365 : memref<128x128xf32, #tpu.memory_space<hbm>>)
    %dma_wait3A_370 = arith.constant 0 : i32
    %dma_wait3A_371 = arith.constant 0 : i32
    %dma_wait3A_372 = arith.constant 0 : i32
    %dma_wait3A_373 = tpu.memref_slice %arg11[%dma_wait3A_370, %dma_wait3A_371, %dma_wait3A_372] : memref<2x128x128xf32, #tpu.memory_space<vmem>> -> memref<1x128x128xf32, #tpu.memory_space<vmem>>
    %dma_wait3A_374 = tpu.memref_squeeze %dma_wait3A_373 : memref<1x128x128xf32, #tpu.memory_space<vmem>> -> memref<128x128xf32, #tpu.memory_space<vmem>>
    %dma_wait3A_375 = arith.constant 0 : i32
    %dma_wait3A_376 = tpu.memref_slice %arg7[%add3A_254, %dma_wait3A_375] : memref<16384x128xf32, #tpu.memory_space<hbm>> -> memref<128x128xf32, #tpu.memory_space<hbm>>
    %dma_wait3A_377 = arith.constant 0 : i32
    %dma_wait3A_378 = tpu.memref_slice %arg7[%add3A_254, %dma_wait3A_377] : memref<16384x128xf32, #tpu.memory_space<hbm>> -> memref<128x128xf32, #tpu.memory_space<hbm>>
    %dma_wait3A_379 = arith.constant 0 : i32
    %dma_wait3A_380 = arith.constant 0 : i32
    %dma_wait3A_381 = tpu.memref_slice %arg11[%dma_wait3A_370, %dma_wait3A_379, %dma_wait3A_380] : memref<2x128x128xf32, #tpu.memory_space<vmem>> -> memref<1x128x128xf32, #tpu.memory_space<vmem>>
    %dma_wait3A_382 = tpu.memref_squeeze %dma_wait3A_381 : memref<1x128x128xf32, #tpu.memory_space<vmem>> -> memref<128x128xf32, #tpu.memory_space<vmem>>
    tpu.wait_dma2 semaphore(%arg15 : memref<!tpu.dma_semaphore, #tpu.memory_space<semaphore_mem>>) src(%dma_wait3A_382 : memref<128x128xf32, #tpu.memory_space<vmem>>) dst(%dma_wait3A_378 : memref<128x128xf32, #tpu.memory_space<hbm>>)
    %dma_wait3A_383 = arith.constant 1 : i32
    %dma_wait3A_384 = arith.constant 0 : i32
    %dma_wait3A_385 = arith.constant 0 : i32
    %dma_wait3A_386 = tpu.memref_slice %arg10[%dma_wait3A_383, %dma_wait3A_384, %dma_wait3A_385] : memref<2x128x128xf32, #tpu.memory_space<vmem>> -> memref<1x128x128xf32, #tpu.memory_space<vmem>>
    %dma_wait3A_387 = tpu.memref_squeeze %dma_wait3A_386 : memref<1x128x128xf32, #tpu.memory_space<vmem>> -> memref<128x128xf32, #tpu.memory_space<vmem>>
    %dma_wait3A_388 = arith.constant 0 : i32
    %dma_wait3A_389 = tpu.memref_slice %arg6[%add3A_306, %dma_wait3A_388] : memref<16384x128xf32, #tpu.memory_space<hbm>> -> memref<128x128xf32, #tpu.memory_space<hbm>>
    %dma_wait3A_390 = arith.constant 0 : i32
    %dma_wait3A_391 = tpu.memref_slice %arg6[%add3A_306, %dma_wait3A_390] : memref<16384x128xf32, #tpu.memory_space<hbm>> -> memref<128x128xf32, #tpu.memory_space<hbm>>
    %dma_wait3A_392 = arith.constant 0 : i32
    %dma_wait3A_393 = arith.constant 0 : i32
    %dma_wait3A_394 = tpu.memref_slice %arg10[%dma_wait3A_383, %dma_wait3A_392, %dma_wait3A_393] : memref<2x128x128xf32, #tpu.memory_space<vmem>> -> memref<1x128x128xf32, #tpu.memory_space<vmem>>
    %dma_wait3A_395 = tpu.memref_squeeze %dma_wait3A_394 : memref<1x128x128xf32, #tpu.memory_space<vmem>> -> memref<128x128xf32, #tpu.memory_space<vmem>>
    tpu.wait_dma2 semaphore(%arg14 : memref<!tpu.dma_semaphore, #tpu.memory_space<semaphore_mem>>) src(%dma_wait3A_395 : memref<128x128xf32, #tpu.memory_space<vmem>>) dst(%dma_wait3A_391 : memref<128x128xf32, #tpu.memory_space<hbm>>)
    %dma_wait3A_396 = arith.constant 1 : i32
    %dma_wait3A_397 = arith.constant 0 : i32
    %dma_wait3A_398 = arith.constant 0 : i32
    %dma_wait3A_399 = tpu.memref_slice %arg11[%dma_wait3A_396, %dma_wait3A_397, %dma_wait3A_398] : memref<2x128x128xf32, #tpu.memory_space<vmem>> -> memref<1x128x128xf32, #tpu.memory_space<vmem>>
    %dma_wait3A_400 = tpu.memref_squeeze %dma_wait3A_399 : memref<1x128x128xf32, #tpu.memory_space<vmem>> -> memref<128x128xf32, #tpu.memory_space<vmem>>
    %dma_wait3A_401 = arith.constant 0 : i32
    %dma_wait3A_402 = tpu.memref_slice %arg7[%add3A_306, %dma_wait3A_401] : memref<16384x128xf32, #tpu.memory_space<hbm>> -> memref<128x128xf32, #tpu.memory_space<hbm>>
    %dma_wait3A_403 = arith.constant 0 : i32
    %dma_wait3A_404 = tpu.memref_slice %arg7[%add3A_306, %dma_wait3A_403] : memref<16384x128xf32, #tpu.memory_space<hbm>> -> memref<128x128xf32, #tpu.memory_space<hbm>>
    %dma_wait3A_405 = arith.constant 0 : i32
    %dma_wait3A_406 = arith.constant 0 : i32
    %dma_wait3A_407 = tpu.memref_slice %arg11[%dma_wait3A_396, %dma_wait3A_405, %dma_wait3A_406] : memref<2x128x128xf32, #tpu.memory_space<vmem>> -> memref<1x128x128xf32, #tpu.memory_space<vmem>>
    %dma_wait3A_408 = tpu.memref_squeeze %dma_wait3A_407 : memref<1x128x128xf32, #tpu.memory_space<vmem>> -> memref<128x128xf32, #tpu.memory_space<vmem>>
    tpu.wait_dma2 semaphore(%arg15 : memref<!tpu.dma_semaphore, #tpu.memory_space<semaphore_mem>>) src(%dma_wait3A_408 : memref<128x128xf32, #tpu.memory_space<vmem>>) dst(%dma_wait3A_404 : memref<128x128xf32, #tpu.memory_space<hbm>>)
    return
  }
}

module attributes {stable_mosaic.version = 14 : i64} {
  func.func @_mlp_body(%arg0: i32, %arg1: memref<4096x128xf32, #tpu.memory_space<vmem>>, %arg2: memref<4096x128xf32, #tpu.memory_space<vmem>>, %arg3: memref<256x100xf32, #tpu.memory_space<vmem>>, %arg4: memref<1x100xf32, #tpu.memory_space<vmem>>, %arg5: memref<100x50xf32, #tpu.memory_space<vmem>>, %arg6: memref<1x50xf32, #tpu.memory_space<vmem>>, %arg7: memref<1x50xf32, #tpu.memory_space<vmem>>, %arg8: memref<1x1xf32, #tpu.memory_space<vmem>>, %arg9: memref<1x1x4096xf32, #tpu.memory_space<vmem>>) attributes {dimension_semantics = [#tpu.dimension_semantics<arbitrary>], iteration_bounds = array<i64: 4>, scalar_prefetch = 0 : i64, scratch_operands = 0 : i64, tpu.core_type = #tpu.core_type<tc>, window_params = [{transform_indices = @transform_0, window_bounds = array<i64: 4096, 128>}, {transform_indices = @transform_1, window_bounds = array<i64: 4096, 128>}, {pipeline_mode = #tpu.pipeline_mode<synchronous>, transform_indices = @transform_2, window_bounds = array<i64: 256, 100>}, {pipeline_mode = #tpu.pipeline_mode<synchronous>, transform_indices = @transform_3, window_bounds = array<i64: 1, 100>}, {pipeline_mode = #tpu.pipeline_mode<synchronous>, transform_indices = @transform_4, window_bounds = array<i64: 100, 50>}, {pipeline_mode = #tpu.pipeline_mode<synchronous>, transform_indices = @transform_5, window_bounds = array<i64: 1, 50>}, {pipeline_mode = #tpu.pipeline_mode<synchronous>, transform_indices = @transform_6, window_bounds = array<i64: 1, 50>}, {pipeline_mode = #tpu.pipeline_mode<synchronous>, transform_indices = @transform_7, window_bounds = array<i64: 1, 1>}, {transform_indices = @transform_8, window_bounds = array<i64: 1, 1, 4096>}]} {
    %get3A = arith.constant 0 : index
    %get3A_0 = arith.constant 0 : index
    %get3A_1 = vector.load %arg3[%get3A, %get3A_0] : memref<256x100xf32, #tpu.memory_space<vmem>>, vector<256x100xf32>
    %get3A_2 = arith.constant 0 : index
    %get3A_3 = arith.constant 0 : index
    %get3A_4 = vector.load %arg1[%get3A_2, %get3A_3] : memref<4096x128xf32, #tpu.memory_space<vmem>>, vector<4096x128xf32>
    %slice3A = vector.extract_strided_slice %get3A_1 {offsets = [0, 0], sizes = [128, 100], strides = [1, 1]} : vector<256x100xf32> to vector<128x100xf32>
    %dot_general3A = arith.constant dense<0.000000e+00> : vector<4096x100xf32>
    %dot_general3A_5 = tpu.matmul %get3A_4, %slice3A, %dot_general3A {dimension_numbers = #tpu.dot_dimension_numbers<[1], [0], [0], [1], [0, 0, 1, 1], [], []>, transpose_lhs_hint = false} : vector<4096x128xf32>, vector<128x100xf32>, vector<4096x100xf32> -> vector<4096x100xf32>
    %get3A_6 = arith.constant 0 : index
    %get3A_7 = arith.constant 0 : index
    %get3A_8 = vector.load %arg2[%get3A_6, %get3A_7] : memref<4096x128xf32, #tpu.memory_space<vmem>>, vector<4096x128xf32>
    %slice3A_9 = vector.extract_strided_slice %get3A_1 {offsets = [128, 0], sizes = [128, 100], strides = [1, 1]} : vector<256x100xf32> to vector<128x100xf32>
    %dot_general3A_10 = arith.constant dense<0.000000e+00> : vector<4096x100xf32>
    %dot_general3A_11 = tpu.matmul %get3A_8, %slice3A_9, %dot_general3A_10 {dimension_numbers = #tpu.dot_dimension_numbers<[1], [0], [0], [1], [0, 0, 1, 1], [], []>, transpose_lhs_hint = false} : vector<4096x128xf32>, vector<128x100xf32>, vector<4096x100xf32> -> vector<4096x100xf32>
    %add3A = arith.addf %dot_general3A_5, %dot_general3A_11 : vector<4096x100xf32>
    %get3A_12 = arith.constant 0 : index
    %get3A_13 = arith.constant 0 : index
    %get3A_14 = vector.load %arg4[%get3A_12, %get3A_13] : memref<1x100xf32, #tpu.memory_space<vmem>>, vector<1x100xf32>
    %add3A_15 = vector.broadcast %get3A_14 : vector<1x100xf32> to vector<4096x100xf32>
    %add3A_16 = arith.addf %add3A, %add3A_15 : vector<4096x100xf32>
    %max3A = arith.constant 0.000000e+00 : f32
    %max3A_17 = vector.broadcast %max3A : f32 to vector<4096x100xf32>
    %max3A_18 = arith.maximumf %add3A_16, %max3A_17 : vector<4096x100xf32>
    %get3A_19 = arith.constant 0 : index
    %get3A_20 = arith.constant 0 : index
    %get3A_21 = vector.load %arg5[%get3A_19, %get3A_20] : memref<100x50xf32, #tpu.memory_space<vmem>>, vector<100x50xf32>
    %dot_general3A_22 = arith.constant dense<0.000000e+00> : vector<4096x50xf32>
    %dot_general3A_23 = tpu.matmul %max3A_18, %get3A_21, %dot_general3A_22 {dimension_numbers = #tpu.dot_dimension_numbers<[1], [0], [0], [1], [0, 0, 1, 1], [], []>, transpose_lhs_hint = false} : vector<4096x100xf32>, vector<100x50xf32>, vector<4096x50xf32> -> vector<4096x50xf32>
    %get3A_24 = arith.constant 0 : index
    %get3A_25 = arith.constant 0 : index
    %get3A_26 = vector.load %arg6[%get3A_24, %get3A_25] : memref<1x50xf32, #tpu.memory_space<vmem>>, vector<1x50xf32>
    %add3A_27 = vector.broadcast %get3A_26 : vector<1x50xf32> to vector<4096x50xf32>
    %add3A_28 = arith.addf %dot_general3A_23, %add3A_27 : vector<4096x50xf32>
    %max3A_29 = arith.constant 0.000000e+00 : f32
    %max3A_30 = vector.broadcast %max3A_29 : f32 to vector<4096x50xf32>
    %max3A_31 = arith.maximumf %add3A_28, %max3A_30 : vector<4096x50xf32>
    %get3A_32 = arith.constant 0 : index
    %get3A_33 = arith.constant 0 : index
    %get3A_34 = vector.load %arg7[%get3A_32, %get3A_33] : memref<1x50xf32, #tpu.memory_space<vmem>>, vector<1x50xf32>
    %transpose3A = tpu.transpose %max3A_31, [1, 0] : vector<4096x50xf32> -> vector<50x4096xf32>
    %dot_general3A_35 = arith.constant dense<0.000000e+00> : vector<1x4096xf32>
    %dot_general3A_36 = tpu.matmul %get3A_34, %transpose3A, %dot_general3A_35 {dimension_numbers = #tpu.dot_dimension_numbers<[1], [0], [0], [1], [0, 0, 1, 1], [], []>, transpose_lhs_hint = false} : vector<1x50xf32>, vector<50x4096xf32>, vector<1x4096xf32> -> vector<1x4096xf32>
    %get3A_37 = arith.constant 0 : index
    %get3A_38 = arith.constant 0 : index
    %get3A_39 = vector.load %arg8[%get3A_37, %get3A_38] : memref<1x1xf32, #tpu.memory_space<vmem>>, vector<1x1xf32>
    %add3A_40 = vector.broadcast %get3A_39 : vector<1x1xf32> to vector<1x4096xf32>
    %add3A_41 = arith.addf %dot_general3A_36, %add3A_40 : vector<1x4096xf32>
    %broadcast_in_dim3A = vector.shape_cast %add3A_41 : vector<1x4096xf32> to vector<1x1x4096xf32>
    %swap3A = arith.constant 0 : index
    %swap3A_42 = arith.constant 0 : index
    %swap3A_43 = arith.constant 0 : index
    %swap3A_44 = vector.load %arg9[%swap3A, %swap3A_42, %swap3A_43] : memref<1x1x4096xf32, #tpu.memory_space<vmem>>, vector<1x1x4096xf32>
    tpu.vector_store %arg9[%swap3A, %swap3A_42, %swap3A_43], %broadcast_in_dim3A {strides = array<i32>} : memref<1x1x4096xf32, #tpu.memory_space<vmem>>, vector<1x1x4096xf32>,
    return
  }
  func.func @transform_0(%arg0: i32) -> (i32, i32) {
    %c0_i32 = arith.constant 0 : i32
    %c0_i32_0 = arith.constant 0 : i32
    return %arg0, %c0_i32 : i32, i32
  }
  func.func @transform_1(%arg0: i32) -> (i32, i32) {
    %c0_i32 = arith.constant 0 : i32
    %c0_i32_0 = arith.constant 0 : i32
    return %arg0, %c0_i32 : i32, i32
  }
  func.func @transform_2(%arg0: i32) -> (i32, i32) {
    %c0_i32 = arith.constant 0 : i32
    %c0_i32_0 = arith.constant 0 : i32
    %c0_i32_1 = arith.constant 0 : i32
    return %c0_i32, %c0_i32_0 : i32, i32
  }
  func.func @transform_3(%arg0: i32) -> (i32, i32) {
    %c0_i32 = arith.constant 0 : i32
    %c0_i32_0 = arith.constant 0 : i32
    %c0_i32_1 = arith.constant 0 : i32
    return %c0_i32, %c0_i32_0 : i32, i32
  }
  func.func @transform_4(%arg0: i32) -> (i32, i32) {
    %c0_i32 = arith.constant 0 : i32
    %c0_i32_0 = arith.constant 0 : i32
    %c0_i32_1 = arith.constant 0 : i32
    return %c0_i32, %c0_i32_0 : i32, i32
  }
  func.func @transform_5(%arg0: i32) -> (i32, i32) {
    %c0_i32 = arith.constant 0 : i32
    %c0_i32_0 = arith.constant 0 : i32
    %c0_i32_1 = arith.constant 0 : i32
    return %c0_i32, %c0_i32_0 : i32, i32
  }
  func.func @transform_6(%arg0: i32) -> (i32, i32) {
    %c0_i32 = arith.constant 0 : i32
    %c0_i32_0 = arith.constant 0 : i32
    %c0_i32_1 = arith.constant 0 : i32
    return %c0_i32, %c0_i32_0 : i32, i32
  }
  func.func @transform_7(%arg0: i32) -> (i32, i32) {
    %c0_i32 = arith.constant 0 : i32
    %c0_i32_0 = arith.constant 0 : i32
    %c0_i32_1 = arith.constant 0 : i32
    return %c0_i32, %c0_i32_0 : i32, i32
  }
  func.func @transform_8(%arg0: i32) -> (i32, i32, i32) {
    %c0_i32 = arith.constant 0 : i32
    %c0_i32_0 = arith.constant 0 : i32
    %c0_i32_1 = arith.constant 0 : i32
    return %arg0, %c0_i32, %c0_i32_0 : i32, i32, i32
  }
}

</mosaic_0001>

<sc_bundles>
// kernel: kernel.4.cloned.1.call-start
scs
__scs_entry_jumppad:
0x0: {  	(pc) =	sbr.rel $0x88, $3  }
0x1: {  	(tag) =	ssettag $0x0;
	lr =	simm.s32 $0x1  }
0x2: {  	[smem:$0x3F97] =	sst lr;
	_ =	strace $0xD0000000  }
0x3: {  	_ = 	snop  }
0x4: {  	_ = 	snop  }
0x5: {  	_ = 	snop  }
0x6: {  	_ = 	snop  }
0x7: {  	_ = 	snop  }
__scs_overlays_trampoline_lowered:
0x8: {  	[smem:$0x3FA6] =	sst s0  }
0x9: {  	[smem:$0x3FA7] =	sst s1  }
0xa: {  	[smem:$0x3FA8] =	sst s2  }
0xb: {  	[smem:$0x3FA9] =	sst s3  }
0xc: {  	[smem:$0x3FAA] =	sst s4  }
0xd: {  	[smem:$0x3FAB] =	sst s5  }
0xe: {  	[smem:$0x3FAC] =	sst s6  }
0xf: {  	[smem:$0x3FAD] =	sst s7  }
0x10: {  	[smem:$0x3FAE] =	sst s8  }
0x11: {  	[smem:$0x3FAF] =	sst s9;
	s0 =	simm.s32 @!p0 $0x0  }
0x12: {  	s1 =	sld [smem:$0x3F95];
	s0 =	simm.s32 @p0 $0x1  }
0x13: {  	[smem:$0x3FB0] =	sst s0;
	s0 =	simm.s32 @!p1 $0x0  }
0x14: {  	s2 =	sld [smem:$0x3F94];
	s0 =	simm.s32 @p1 $0x1  }
0x15: {  	[smem:$0x3FB1] =	sst s0;
	s0 =	simm.s32 @!p2 $0x0  }
0x16: {  	s3 =	sld [smem:$0x3FDB];
	s0 =	simm.s32 @p2 $0x1  }
0x17: {  	s4 =	simm.s32 $0x1BF5;
	[smem:$0x3FB3] =	sst s0  }
0x18: {  	s0 =	sld [smem:$0x3F96];
	_ =	swait.ge [sflag:s4], $0x0  }
0x19: {  	s7 =	sld [smem:$0x3F97]  }
0x1a: {  	s8 =	sadd.s32 $0xFFFFE003, lr  }
0x1b: {  	s9 =	sadd.s32 $0xFFFFFEF7, lr;
	s5 =	simm.s32 $0xFFFFFFFF;
	p2 =	slt.u32 s8, $0xFFFFF086  }
0x1c: {  	p1 =	slt.u32 s9, $0xF7A;
	s5 =	simm.s32 @!p2 $0x0  }
0x1d: {  	s5 =	simm.s32 @p1 $0x1;
	p0 =	seq.s32 s7, s2  }
0x1e: {  	s7 =	smul.u32 @!p0 $0xF7A, s2;
	p2 =	seq.s32 @!p0 s5, $0x0  }
0x1f: {  	s9 =	smul.u32 $0xF7A, s1;
	s8 =	simm.s32 @!p0 $0x1BF5;
	p2 =	por !p2, p0  }
0x20: {  	[sflag:s8] =	ssyncset.s32 @!p0 $0xFFFFF086;
	s6 =	sadd.s32 @!p0 s3, s7;
	s7 =	simm.s32 @!p0 $0x108  }
0x21: {  	s3 =	sadd.s32 s3, s9;
	s6 =	sadd.s32 @!p0 $0x88, s6;
	s7 =	simm.s32 @p2 $0x1082  }
0x22: {  	[simem:s7], [sflag:s8] =	dma.local @!p0 [hbm:s6], $0xF7A  }
0x23: {  	s9 =	sor.u32 $0xD0000000, s2;
	s6 =	simm.s32 $0x108;
	_ =	swait.ge @!p0 [sflag:s8], $0x0  }
0x24: {  	s3 =	sadd.s32 $0x88, s3;
	s6 =	simm.s32 @!p1 $0x1082;
	[sflag:s4] =	ssyncset.s32 $0xFFFFF086  }
0x25: {  	[simem:s6], [sflag:s4] =	dma.local [hbm:s3], $0xF7A  }
0x26: {  	[smem:$0x3F97] =	sst s1;
	(tag) =	ssettag s2;
	_ =	strace s9  }
0x27: {  	s1 =	sld [smem:$0x3FA7]  }
0x28: {  	s2 =	sld [smem:$0x3FA8]  }
0x29: {  	s4 =	sld [smem:$0x3FAA]  }
0x2a: {  	p0 =	seq.s32 s5, $0x0;
	s5 =	sld [smem:$0x3FAB]  }
0x2b: {  	s6 =	sld [smem:$0x3FAC]  }
0x2c: {  	s7 =	sld [smem:$0x3FAD]  }
0x2d: {  	s3 =	simm.s32 $0x108;
	s8 =	sld [smem:$0x3FAE]  }
0x2e: {  	s3 =	simm.s32 @!p0 $0x1082;
	s9 =	sld [smem:$0x3FAF]  }
0x2f: {  	lr =	sadd.s32 s0, s3;
	s0 =	sld [smem:$0x3FA6]  }
0x30: {  	s3 =	sld [smem:$0x3FA9]  }
0x31: {  	[smem:$0x3FB2] =	sst s10  }
0x32: {  	s10 =	sld [smem:$0x3FB0];
	_ =	sdelay $0x3  }
0x33: {  	p0 =	seq.s32 s10, $0x1;
	s10 =	sld [smem:$0x3FB2];
	_ =	sdelay $0x3  }
0x34: {  	[smem:$0x3FB2] =	sst s10  }
0x35: {  	s10 =	sld [smem:$0x3FB1];
	_ =	sdelay $0x3  }
0x36: {  	p1 =	seq.s32 s10, $0x1;
	s10 =	sld [smem:$0x3FB2];
	_ =	sdelay $0x3  }
0x37: {  	[smem:$0x3FB2] =	sst s10  }
0x38: {  	s10 =	sld [smem:$0x3FB3]  }
0x39: {  	_ = 	snop;
	(pc) =	sbr.ind lr, $3  }
0x3a: {  	_ = 	snop  }
0x3b: {  	_ = 	snop  }
0x3c: {  	p2 =	seq.s32 s10, $0x1;
	s10 =	sld [smem:$0x3FB2]  }
0x3d: {  	_ =	shalt  }
0x3e: {  	_ =	shalt  }
0x3f: {  	_ =	shalt  }
0x40: {  	_ =	shalt  }
0x41: {  	_ =	shalt  }
0x42: {  	_ =	shalt  }
0x43: {  	_ =	shalt  }
0x44: {  	_ =	shalt  }
0x45: {  	_ =	shalt  }
0x46: {  	_ =	shalt  }
0x47: {  	_ =	shalt  }
0x48: {  	_ =	shalt  }
0x49: {  	_ =	shalt  }
0x4a: {  	_ =	shalt  }
0x4b: {  	_ =	shalt  }
0x4c: {  	_ =	shalt  }
0x4d: {  	_ =	shalt  }
0x4e: {  	_ =	shalt  }
0x4f: {  	_ =	shalt  }
0x50: {  	_ =	shalt  }
0x51: {  	_ =	shalt  }
0x52: {  	_ =	shalt  }
0x53: {  	_ =	shalt  }
0x54: {  	_ =	shalt  }
0x55: {  	_ =	shalt  }
0x56: {  	_ =	shalt  }
0x57: {  	_ =	shalt  }
0x58: {  	_ =	shalt  }
0x59: {  	_ =	shalt  }
0x5a: {  	_ =	shalt  }
0x5b: {  	_ =	shalt  }
0x5c: {  	_ =	shalt  }
0x5d: {  	_ =	shalt  }
0x5e: {  	_ =	shalt  }
0x5f: {  	_ =	shalt  }
0x60: {  	_ =	shalt  }
0x61: {  	_ =	shalt  }
0x62: {  	_ =	shalt  }
0x63: {  	_ =	shalt  }
0x64: {  	_ =	shalt  }
0x65: {  	_ =	shalt  }
0x66: {  	_ =	shalt  }
0x67: {  	_ =	shalt  }
0x68: {  	_ =	shalt  }
0x69: {  	_ =	shalt  }
0x6a: {  	_ =	shalt  }
0x6b: {  	_ =	shalt  }
0x6c: {  	_ =	shalt  }
0x6d: {  	_ =	shalt  }
0x6e: {  	_ =	shalt  }
0x6f: {  	_ =	shalt  }
0x70: {  	_ =	shalt  }
0x71: {  	_ =	shalt  }
0x72: {  	_ =	shalt  }
0x73: {  	_ =	shalt  }
0x74: {  	_ =	shalt  }
0x75: {  	_ =	shalt  }
0x76: {  	_ =	shalt  }
0x77: {  	_ =	shalt  }
0x78: {  	_ =	shalt  }
0x79: {  	_ =	shalt  }
0x7a: {  	_ =	shalt  }
0x7b: {  	_ =	shalt  }
0x7c: {  	_ =	shalt  }
0x7d: {  	_ =	shalt  }
0x7e: {  	_ =	shalt  }
0x7f: {  	_ =	shalt  }
0x80: {  	_ =	shalt  }
0x81: {  	_ =	shalt  }
0x82: {  	_ =	shalt  }
0x83: {  	_ =	shalt  }
0x84: {  	_ =	shalt  }
0x85: {  	_ =	shalt  }
0x86: {  	_ =	shalt  }
0x87: {  	_ =	shalt  }
.Lfunc_end0:
.L_simem_size_0:
called_computation_lowered:
.L_overlay_start_0:
0x88: {  	s2 =	sld [smem:$0x3FD9]  }
0x89: {  	s3 =	sld [smem:$0x3FFE];
	_ =	sdelay $0x1  }
0x8a: {  	s1 =	srdreg.scid  }
0x8b: {  	s0 =	sand.u32 $0x1, s1  }
0x8c: {  	s17 =	sshll.u32 s0, $0xA;
	s2 =	sadd.s32 s3, s2  }
0x8d: {  	s2 =	sadd.s32 s2, s17  }
0x8e: {  	[smem:$0x3FBE] =	sst s2  }
0x8f: {  	_ = 	snop  }
0x90: {  	s2 =	sld [smem:$0x3FC9]  }
0x91: {  	s18 =	sld [smem:$0x3FC8]  }
0x92: {  	s4 =	sld [smem:$0x3FC7]  }
0x93: {  	s5 =	sld [smem:$0x3FC6];
	(tm) =	ssettm $0x1  }
0x94: {  	s6 =	sld [smem:$0x3FFB];
	_ =	sdelay $0x3  }
0x95: {  	_ =	strace s6  }
0x96: {  	s6 =	sld [smem:$0x3FFC];
	_ =	sdelay $0x3  }
0x97: {  	_ =	strace s6  }
0x98: {  	s6 =	sld [smem:$0x3FFD];
	_ =	sdelay $0x3  }
0x99: {  	_ =	strace s6  }
0x9a: {  	_ =	strace $0x8FFFFFFF  }
0x9b: {  	s19 =	sld [smem:$0x3FDB];
	_ =	sdelay $0x1  }
0x9c: {  	s7 =	simm.s32 $_scs_section_size  }
0x9d: {  	s8 =	simm.s32 $_size__tile_overlayer_lowered;
	s9 =	simm.s32 $_tile_overlayer_lowered  }
0x9e: {  	s22 =	simm.s32 $0x1BFF;
	s21 =	sshll.u32 s9, $0x1;
	s6 =	sadd.s32 s7, s19  }
0x9f: {  	s10 =	simm.s32 $0x0;
	s20 =	sshll.u32 s8, $0x1;
	s8 =	sadd.s32 s21, s6  }
0xa0: {  	[timem:s10], [sflag:s22] =	dma.local [hbm:s8], s20  }
0xa1: {  	_ =	swait.ge [sflag:s22], s20  }
0xa2: {  	s7 =	ssub.s32 $0x0, s20;
	[sflag:s22] =	ssyncset.done $0x0  }
0xa3: {  	[sflag:s22] =	ssyncadd.s32 s7;
	_ =	sdelay $0x1  }
0xa4: {  	s23 =	simm.s32 $0x1B8B  }
0xa5: {  	_ =	swait.ge [sflag:s23], $0x1  }
0xa6: {  	[sflag:s23] =	ssyncset.done $0x0  }
0xa7: {  	s25 =	simm.s32 $0x1B8E;
	s24 =	sld [smem:$0x3FFE];
	[sflag:s23] =	ssyncadd.s32 $0xFFFFFFFF  }
0xa8: {  	s26 =	simm.s32 $execute0_lowered;
	[smem:$0x3FD2] =	sst s25  }
0xa9: {  	s8 =	sshll.u32 s26, $0x1;
	_ =	strace $0x80000046;
	[dreg:$0x1] =	wrdreg $0xFFFFFFFF  }
0xaa: {  	s28 =	simm.s32 $_size_execute0_lowered;
	s6 =	sadd.s32 s6, s8;
	[dreg:$0x0] =	wrdreg $0x0  }
0xab: {  	s8 =	sshll.u32 s28, $0x1;
	[dreg:$0x2] =	wrdreg s6  }
0xac: {  	[dreg:$0x3] =	wrdreg s8  }
0xad: {  	[dreg:$0x4] =	wrdreg $0xC0  }
0xae: {  	_ =	task [dreg:s10], $0x5FFFF  }
0xaf: {  	[dreg:$0x1] =	wrdreg $0xFFFFFFFF  }
0xb0: {  	[dreg:$0x0] =	wrdreg $0x60  }
0xb1: {  	[dreg:$0x2] =	wrdreg s2  }
0xb2: {  	[dreg:$0x3] =	wrdreg s18  }
0xb3: {  	[dreg:$0x4] =	wrdreg s4  }
0xb4: {  	[dreg:$0x5] =	wrdreg s5  }
0xb5: {  	[dreg:$0x6] =	wrdreg s24  }
0xb6: {  	[dreg:$0x7] =	wrdreg $0x9  }
0xb7: {  	_ =	task.clear_ibuf [dreg:s10], $0x8FFFF;
	_ =	strace $0x90000046  }
0xb8: {  	s29 =	simm.s32 $0x9;
	_ =	strace $0x80000048  }
0xb9: {  	_ =	swait.ge [sflag:s29], $0x1  }
0xba: {  	[sflag:s29] =	ssyncadd.s32 $0xFFFFFFFF  }
0xbb: {  	_ =	strace $0x90000048  }
0xbc: {  	_ =	sfence  }
0xbd: {  	s30 =	sld [smem:$0x0];
	_ =	sdelay $0x2  }
0xbe: {  	s31 =	sshll.u32 s1, $0xD;
	s1 =	sshrl.u32 s1, $0x2  }
0xbf: {  	s3 =	sand.u32 $0x4000, s31;
	s1 =	sadd.s32 s1, s30  }
0xc0: {  	s0 =	sor.u32 s3, s0;
	s1 =	sshll.u32 s1, $0x11  }
0xc1: {  	s0 =	sor.u32 s1, s0  }
0xc2: {  	s0 =	sadd.s32 $0x8F2B, s0  }
0xc3: {  	[sflag:s0] =	ssyncadd.remote.s32 $0x1  }
0xc4: {  	_ =	sfence.sel $0xFFFF  }
0xc5: {  	[dreg:$0x0] =	wrdreg $0xFFFFFFFF;
	(pc) =	sbr.abs _section_cstart, $3  }
0xc6: {  	[dreg:$0x1] =	wrdreg $0xFFFFFFFF  }
0xc7: {  	_ =	task.clear_ibuf [dreg:s10], $0x2FFFF;
	_ =	strace $0x9FFFFFFF  }
0xc8: {  	(tm) =	ssettm $0x7FFFFFFF  }
0xc9: {  	_ =	shalt  }
tec
execute0_lowered:
.L_overlay_start_1:
0x0: {  	(tag) =	ssettag $0x1  }
0x1: {  	s5 =	rddreg [dreg:$0x0];
	s1 =	srdreg.scid  }
0x2: {  	s6 =	rddreg [dreg:$0x1];
	s0 =	stileid.u32;
	s31 =	sand.u32 $0x1, s1  }
0x3: {  	s2 =	rddreg [dreg:$0x2];
	s7 =	sshll.u32 s0, $0xA;
	s8 =	sshll.u32 s31, $0x9  }
0x4: {  	s3 =	rddreg [dreg:$0x3];
	s15 =	sor.u32 s8, s7  }
0x5: {  	s17 =	rddreg [dreg:$0x4];
	s4 =	simm.s32 $0x0;
	s7 =	sshrl.u32 s15, $0x3  }
0x6: {  	[smem:$0x7FF] =	sst s4;
	s5 =	sadd.s32 s5, s7  }
0x7: {  	_ =	strace $0x80000047;
	[dreg:$0x6] =	wrdreg s5  }
0x8: {  	s5 =	simm.s32 $0x5;
	s26 =	rddreg [dreg:$0x6]  }
0x9: {  	[tilespmem:s4], [sflag:$0x5] =	stream.linear.gather [hbm4b:s26+s4], $0x200, $0x38;
	[tilespmem:$0x10400] =	vst v63  }
0xa: {  	_ =	swait.ge [sflag:s5], $0x200  }
0xb: {  	[sflag:s5] =	ssyncset.done $0x0  }
0xc: {  	s6 =	sadd.s32 s6, s7;
	s7 =	simm.s32 $0x200;
	[sflag:s5] =	ssyncadd.s32 $0xFFFFFE00  }
0xd: {  	[tilespmem:s7], [sflag:$0x5] =	stream.linear.gather [hbm4b:s6+s4], $0x200, $0x38;
	[tilespmem:$0x10400] =	vst v63  }
0xe: {  	_ =	swait.ge [sflag:s5], $0x200  }
0xf: {  	[sflag:s5] =	ssyncset.done $0x0  }
0x10: {  	s9 =	simm.s32 $0x400;
	s8 =	simm.s32 $0x80;
	[sflag:s5] =	ssyncadd.s32 $0xFFFFFE00  }
0x11: {  	[tilespmem:s9], [sflag:$0x1] =	stream.indirect.gather [hbm4b:s2+s8], $0x80, s4, s8, $0xb8;
	[tilespmem:$0x10400] =	vst v63  }
0x12: {  	s10 =	simm.s32 $0x8400  }
0x13: {  	[tilespmem:s10], [sflag:$0x2] =	stream.indirect.gather [hbm4b:s3+s8], $0x80, s7, s8, $0xb8;
	[tilespmem:$0x10400] =	vst v63  }
0x14: {  	s11 =	simm.s32 $0x4400  }
0x15: {  	[tilespmem:s11], [sflag:$0x1] =	stream.indirect.gather [hbm4b:s2+s8], $0x80, s8, s8, $0xb8;
	[tilespmem:$0x10400] =	vst v63  }
0x16: {  	s12 =	simm.s32 $0x280;
	s13 =	simm.s32 $0xC400;
	s14 =	simm.s32 $0x1  }
0x17: {  	[tilespmem:s13], [sflag:$0x2] =	stream.indirect.gather [hbm4b:s3+s8], $0x80, s12, s8, $0xb8;
	[tilespmem:$0x10400] =	vst v63  }
0x18: {  	_ =	swait.ge [sflag:s14], $0x4000  }
0x19: {  	s29 =	sadd.s32 $0x1600, s17;
	s30 =	sshll.u32 s15, $0x4;
	[sflag:s14] =	ssyncset.done $0x0  }
0x1a: {  	s16 =	simm.s32 $0x2;
	s15 =	sadd.s32 s29, s30;
	[sflag:s14] =	ssyncadd.s32 $0xFFFFC000  }
0x1b: {  	[hbm4b:s15+s4] =	stream.linear.scatter [tilespmem:s9], [sflag:$0x3], $0x4000, $0x38;
	[tilespmem:$0x10400] =	vst v63  }
0x1c: {  	_ =	swait.ge [sflag:s16], $0x4000  }
0x1d: {  	s1 =	sadd.s32 $0x41600, s17;
	[sflag:s16] =	ssyncset.done $0x0  }
0x1e: {  	s18 =	simm.s32 $0x3;
	s17 =	sadd.s32 s1, s30;
	[sflag:s16] =	ssyncadd.s32 $0xFFFFC000  }
0x1f: {  	[hbm4b:s17+s4] =	stream.linear.scatter [tilespmem:s10], [sflag:$0x4], $0x4000, $0x38;
	[tilespmem:$0x10400] =	vst v63  }
0x20: {  	_ =	swait.ge [sflag:s18], $0x4000  }
0x21: {  	[sflag:s18] =	ssyncset.done $0x0  }
0x22: {  	s20 =	simm.s32 $0x100;
	s19 =	simm.s32 $0x4;
	[sflag:s18] =	ssyncadd.s32 $0xFFFFC000  }
0x23: {  	[tilespmem:s9], [sflag:$0x1] =	stream.indirect.gather [hbm4b:s2+s8], $0x80, s20, s8, $0xb8;
	[tilespmem:$0x10400] =	vst v63  }
0x24: {  	_ =	swait.ge [sflag:s19], $0x4000  }
0x25: {  	[sflag:s19] =	ssyncset.done $0x0  }
0x26: {  	s21 =	simm.s32 $0x300;
	[sflag:s19] =	ssyncadd.s32 $0xFFFFC000  }
0x27: {  	[tilespmem:s10], [sflag:$0x2] =	stream.indirect.gather [hbm4b:s3+s8], $0x80, s21, s8, $0xb8;
	[tilespmem:$0x10400] =	vst v63  }
0x28: {  	_ =	swait.ge [sflag:s14], $0x4000  }
0x29: {  	s23 =	sor.u32 $0x800, s30;
	[sflag:s14] =	ssyncset.done $0x0  }
0x2a: {  	s22 =	sadd.s32 s29, s23;
	[sflag:s14] =	ssyncadd.s32 $0xFFFFC000  }
0x2b: {  	[hbm4b:s22+s4] =	stream.linear.scatter [tilespmem:s11], [sflag:$0x3], $0x4000, $0x38;
	[tilespmem:$0x10400] =	vst v63  }
0x2c: {  	_ =	swait.ge [sflag:s16], $0x4000  }
0x2d: {  	[sflag:s16] =	ssyncset.done $0x0  }
0x2e: {  	s23 =	sadd.s32 s1, s23;
	[sflag:s16] =	ssyncadd.s32 $0xFFFFC000  }
0x2f: {  	[hbm4b:s23+s4] =	stream.linear.scatter [tilespmem:s13], [sflag:$0x4], $0x4000, $0x38;
	[tilespmem:$0x10400] =	vst v63  }
0x30: {  	_ =	swait.ge [sflag:s18], $0x4000  }
0x31: {  	[sflag:s18] =	ssyncset.done $0x0  }
0x32: {  	s24 =	simm.s32 $0x180;
	[sflag:s18] =	ssyncadd.s32 $0xFFFFC000  }
0x33: {  	[tilespmem:s11], [sflag:$0x1] =	stream.indirect.gather [hbm4b:s2+s8], $0x80, s24, s8, $0xb8;
	[tilespmem:$0x10400] =	vst v63  }
0x34: {  	_ =	swait.ge [sflag:s19], $0x4000  }
0x35: {  	[sflag:s19] =	ssyncset.done $0x0  }
0x36: {  	s25 =	simm.s32 $0x380;
	[sflag:s19] =	ssyncadd.s32 $0xFFFFC000  }
0x37: {  	[tilespmem:s13], [sflag:$0x2] =	stream.indirect.gather [hbm4b:s3+s8], $0x80, s25, s8, $0xb8;
	[tilespmem:$0x10400] =	vst v63  }
0x38: {  	_ =	swait.ge [sflag:s14], $0x4000  }
0x39: {  	s28 =	sor.u32 $0x1000, s30;
	[sflag:s14] =	ssyncset.done $0x0  }
0x3a: {  	s26 =	sadd.s32 s29, s28;
	[sflag:s14] =	ssyncadd.s32 $0xFFFFC000  }
0x3b: {  	[hbm4b:s26+s4] =	stream.linear.scatter [tilespmem:s9], [sflag:$0x3], $0x4000, $0x38;
	[tilespmem:$0x10400] =	vst v63  }
0x3c: {  	_ =	swait.ge [sflag:s16], $0x4000  }
0x3d: {  	[sflag:s16] =	ssyncset.done $0x0  }
0x3e: {  	s28 =	sadd.s32 s1, s28;
	[sflag:s16] =	ssyncadd.s32 $0xFFFFC000  }
0x3f: {  	[hbm4b:s28+s4] =	stream.linear.scatter [tilespmem:s10], [sflag:$0x4], $0x4000, $0x38;
	[tilespmem:$0x10400] =	vst v63  }
0x40: {  	_ =	swait.ge [sflag:s14], $0x4000  }
0x41: {  	s30 =	sor.u32 $0x1800, s30;
	[sflag:s14] =	ssyncset.done $0x0  }
0x42: {  	s29 =	sadd.s32 s29, s30;
	[sflag:s14] =	ssyncadd.s32 $0xFFFFC000  }
0x43: {  	[hbm4b:s29+s4] =	stream.linear.scatter [tilespmem:s11], [sflag:$0x3], $0x4000, $0x38;
	[tilespmem:$0x10400] =	vst v63  }
0x44: {  	_ =	swait.ge [sflag:s16], $0x4000  }
0x45: {  	[sflag:s16] =	ssyncset.done $0x0  }
0x46: {  	s30 =	sadd.s32 s1, s30;
	[sflag:s16] =	ssyncadd.s32 $0xFFFFC000  }
0x47: {  	[hbm4b:s30+s4] =	stream.linear.scatter [tilespmem:s13], [sflag:$0x4], $0x4000, $0x38;
	[tilespmem:$0x10400] =	vst v63  }
0x48: {  	s1 =	ssub.s32 $0x2, s31;
	_ =	swait.ge [sflag:s18], $0x4000  }
0x49: {  	s31 =	sshrl.u32 s1, $0x1;
	[sflag:s18] =	ssyncset.done $0x0  }
0x4a: {  	s1 =	ssub.s32 s1, s31;
	[sflag:s18] =	ssyncadd.s32 $0xFFFFC000  }
0x4b: {  	s1 =	smax.u32 s1, $0x1;
	_ =	swait.ge [sflag:s19], $0x4000  }
0x4c: {  	p0 =	sne.s32 s1, $0x1;
	[sflag:s19] =	ssyncset.done $0x0  }
.Ltmp0:
0x4d: {  	[sflag:s19] =	ssyncadd.s32 $0xFFFFC000;
	(pc) =	sbr.rel @!p0 .LBB2_2-.Ltmp0, $4  }
0x4e: {  	_ =	swait.ge [sflag:s18], $0x4000  }
0x4f: {  	[sflag:s18] =	ssyncset.done $0x0  }
0x50: {  	[sflag:s18] =	ssyncadd.s32 $0xFFFFC000  }
0x51: {  	s31 =	sadd.s32 $0xFFFFFFFF, s1;
	_ =	swait.ge [sflag:s19], $0x4000  }
.LBB2_1:
0x52: {  	[sflag:s19] =	ssyncset.done $0x0  }
0x53: {  	s1 =	rddreg [dreg:$0x6];
	[sflag:s19] =	ssyncadd.s32 $0xFFFFC000  }
0x54: {  	[tilespmem:s4], [sflag:$0x5] =	stream.linear.gather [hbm4b:s1+s4], $0x200, $0x38;
	[tilespmem:$0x10400] =	vst v63  }
0x55: {  	_ =	swait.ge [sflag:s5], $0x200  }
0x56: {  	[sflag:s5] =	ssyncset.done $0x0  }
0x57: {  	[sflag:s5] =	ssyncadd.s32 $0xFFFFFE00  }
0x58: {  	[tilespmem:s7], [sflag:$0x5] =	stream.linear.gather [hbm4b:s6+s4], $0x200, $0x38;
	[tilespmem:$0x10400] =	vst v63  }
0x59: {  	_ =	swait.ge [sflag:s5], $0x200  }
0x5a: {  	[sflag:s5] =	ssyncset.done $0x0  }
0x5b: {  	[sflag:s5] =	ssyncadd.s32 $0xFFFFFE00  }
0x5c: {  	[tilespmem:s9], [sflag:$0x1] =	stream.indirect.gather [hbm4b:s2+s8], $0x80, s4, s8, $0xb8;
	[tilespmem:$0x10400] =	vst v63  }
0x5d: {  	_ = 	snop  }
0x5e: {  	[tilespmem:s10], [sflag:$0x2] =	stream.indirect.gather [hbm4b:s3+s8], $0x80, s7, s8, $0xb8;
	[tilespmem:$0x10400] =	vst v63  }
0x5f: {  	_ = 	snop  }
0x60: {  	[tilespmem:s11], [sflag:$0x1] =	stream.indirect.gather [hbm4b:s2+s8], $0x80, s8, s8, $0xb8;
	[tilespmem:$0x10400] =	vst v63  }
0x61: {  	_ = 	snop  }
0x62: {  	[tilespmem:s13], [sflag:$0x2] =	stream.indirect.gather [hbm4b:s3+s8], $0x80, s12, s8, $0xb8;
	[tilespmem:$0x10400] =	vst v63  }
0x63: {  	_ =	swait.ge [sflag:s14], $0x4000  }
0x64: {  	[sflag:s14] =	ssyncset.done $0x0  }
0x65: {  	[sflag:s14] =	ssyncadd.s32 $0xFFFFC000  }
0x66: {  	[hbm4b:s15+s4] =	stream.linear.scatter [tilespmem:s9], [sflag:$0x3], $0x4000, $0x38;
	[tilespmem:$0x10400] =	vst v63  }
0x67: {  	_ =	swait.ge [sflag:s16], $0x4000  }
0x68: {  	[sflag:s16] =	ssyncset.done $0x0  }
0x69: {  	[sflag:s16] =	ssyncadd.s32 $0xFFFFC000  }
0x6a: {  	[hbm4b:s17+s4] =	stream.linear.scatter [tilespmem:s10], [sflag:$0x4], $0x4000, $0x38;
	[tilespmem:$0x10400] =	vst v63  }
0x6b: {  	_ =	swait.ge [sflag:s18], $0x4000  }
0x6c: {  	[sflag:s18] =	ssyncset.done $0x0  }
0x6d: {  	[sflag:s18] =	ssyncadd.s32 $0xFFFFC000  }
0x6e: {  	[tilespmem:s9], [sflag:$0x1] =	stream.indirect.gather [hbm4b:s2+s8], $0x80, s20, s8, $0xb8;
	[tilespmem:$0x10400] =	vst v63  }
0x6f: {  	_ =	swait.ge [sflag:s19], $0x4000  }
0x70: {  	[sflag:s19] =	ssyncset.done $0x0  }
0x71: {  	[sflag:s19] =	ssyncadd.s32 $0xFFFFC000  }
0x72: {  	[tilespmem:s10], [sflag:$0x2] =	stream.indirect.gather [hbm4b:s3+s8], $0x80, s21, s8, $0xb8;
	[tilespmem:$0x10400] =	vst v63  }
0x73: {  	_ =	swait.ge [sflag:s14], $0x4000  }
0x74: {  	[sflag:s14] =	ssyncset.done $0x0  }
0x75: {  	[sflag:s14] =	ssyncadd.s32 $0xFFFFC000  }
0x76: {  	[hbm4b:s22+s4] =	stream.linear.scatter [tilespmem:s11], [sflag:$0x3], $0x4000, $0x38;
	[tilespmem:$0x10400] =	vst v63  }
0x77: {  	_ =	swait.ge [sflag:s16], $0x4000  }
0x78: {  	[sflag:s16] =	ssyncset.done $0x0  }
0x79: {  	[sflag:s16] =	ssyncadd.s32 $0xFFFFC000  }
0x7a: {  	[hbm4b:s23+s4] =	stream.linear.scatter [tilespmem:s13], [sflag:$0x4], $0x4000, $0x38;
	[tilespmem:$0x10400] =	vst v63  }
0x7b: {  	_ =	swait.ge [sflag:s18], $0x4000  }
0x7c: {  	[sflag:s18] =	ssyncset.done $0x0  }
0x7d: {  	[sflag:s18] =	ssyncadd.s32 $0xFFFFC000  }
0x7e: {  	[tilespmem:s11], [sflag:$0x1] =	stream.indirect.gather [hbm4b:s2+s8], $0x80, s24, s8, $0xb8;
	[tilespmem:$0x10400] =	vst v63  }
0x7f: {  	_ =	swait.ge [sflag:s19], $0x4000  }
0x80: {  	[sflag:s19] =	ssyncset.done $0x0  }
0x81: {  	[sflag:s19] =	ssyncadd.s32 $0xFFFFC000  }
0x82: {  	[tilespmem:s13], [sflag:$0x2] =	stream.indirect.gather [hbm4b:s3+s8], $0x80, s25, s8, $0xb8;
	[tilespmem:$0x10400] =	vst v63  }
0x83: {  	_ =	swait.ge [sflag:s14], $0x4000  }
0x84: {  	[sflag:s14] =	ssyncset.done $0x0  }
0x85: {  	[sflag:s14] =	ssyncadd.s32 $0xFFFFC000  }
0x86: {  	[hbm4b:s26+s4] =	stream.linear.scatter [tilespmem:s9], [sflag:$0x3], $0x4000, $0x38;
	[tilespmem:$0x10400] =	vst v63  }
0x87: {  	_ =	swait.ge [sflag:s16], $0x4000  }
0x88: {  	[sflag:s16] =	ssyncset.done $0x0  }
0x89: {  	[sflag:s16] =	ssyncadd.s32 $0xFFFFC000  }
0x8a: {  	[hbm4b:s28+s4] =	stream.linear.scatter [tilespmem:s10], [sflag:$0x4], $0x4000, $0x38;
	[tilespmem:$0x10400] =	vst v63  }
0x8b: {  	_ =	swait.ge [sflag:s14], $0x4000  }
0x8c: {  	[sflag:s14] =	ssyncset.done $0x0  }
0x8d: {  	[sflag:s14] =	ssyncadd.s32 $0xFFFFC000  }
0x8e: {  	[hbm4b:s29+s4] =	stream.linear.scatter [tilespmem:s11], [sflag:$0x3], $0x4000, $0x38;
	[tilespmem:$0x10400] =	vst v63  }
0x8f: {  	_ =	swait.ge [sflag:s16], $0x4000  }
0x90: {  	[sflag:s16] =	ssyncset.done $0x0  }
0x91: {  	[sflag:s16] =	ssyncadd.s32 $0xFFFFC000  }
0x92: {  	[hbm4b:s30+s4] =	stream.linear.scatter [tilespmem:s13], [sflag:$0x4], $0x4000, $0x38;
	[tilespmem:$0x10400] =	vst v63  }
0x93: {  	_ =	swait.ge [sflag:s18], $0x4000  }
0x94: {  	[sflag:s18] =	ssyncset.done $0x0  }
0x95: {  	[sflag:s18] =	ssyncadd.s32 $0xFFFFC000  }
0x96: {  	_ =	swait.ge [sflag:s19], $0x4000  }
0x97: {  	p0 =	sne.s32 s31, $0x1;
	[sflag:s19] =	ssyncset.done $0x0  }
.Ltmp1:
0x98: {  	[sflag:s19] =	ssyncadd.s32 $0xFFFFC000;
	(pc) =	sbr.rel @p0 .LBB2_1-.Ltmp1, $4  }
0x99: {  	_ =	swait.ge [sflag:s18], $0x4000  }
0x9a: {  	[sflag:s18] =	ssyncset.done $0x0  }
0x9b: {  	[sflag:s18] =	ssyncadd.s32 $0xFFFFC000  }
0x9c: {  	s31 =	sadd.s32 $0xFFFFFFFF, s31;
	_ =	swait.ge [sflag:s19], $0x4000  }
.LBB2_2:
0x9d: {  	[sflag:s19] =	ssyncset.done $0x0  }
0x9e: {  	[sflag:s19] =	ssyncadd.s32 $0xFFFFC000  }
0x9f: {  	_ =	sfence.sel $0x180000  }
0xa0: {  	[bflag:$0x0] =	sbarrier.arrive $0xFFFF  }
0xa1: {  	_ =	strace $0x90000047  }
0xa2: {  	[bflag:$0x2] =	sbarrier.arrive $0xFFFF  }
0xa3: {  	p0 =	sne.s32 s0, $0x0;
	s0 =	rddreg [dreg:$0x5]  }
0xa4: {  	s0 =	sadd.s32 @!p0 $0x100000, s0  }
0xa5: {  	[sflag:s0] =	ssyncadd.tile.s32 @!p0 $0x1;
	_ =	shalt  }
.Lfunc_end2:
_tile_overlayer_lowered:
.L_overlay_start_2:
0xa6: {  	(tag) =	ssettag $0x2  }
0xa7: {  	s0 =	rddreg [dreg:$0x0];
	s2 =	stileid.u32  }
0xa8: {  	s1 =	rddreg [dreg:$0x1];
	p0 =	sne.s32 s2, $0x0  }
0xa9: {  	s3 =	rddreg [dreg:$0x2];
	[bflag:$0x3] =	sbarrier.arrive $0xFFFF;
	s2 =	simm.s32 @!p0 $0x1C05  }
0xaa: {  	[timem:s3], [sflag:s2] =	dma.local @!p0 [hbm:s0], s1  }
0xab: {  	s0 =	simm.s32 @!p0 $0x5  }
0xac: {  	_ =	swait.ge @!p0 [sflag:s0], s1  }
0xad: {  	s1 =	ssub.s32 @!p0 $0x0, s1;
	[sflag:s0] =	ssyncset.done @!p0 $0x0  }
0xae: {  	[sflag:s0] =	ssyncadd.s32 @!p0 s1  }
0xaf: {  	[bflag:$0x3] =	sbarrier.arrive $0xFFFF  }
0xb0: {  	_ =	shalt  }

</sc_bundles>
